<compile_context>
chip_gen: v7x
topology: tpu7x:2x2x1
jax: 0.10.2.dev20260603
libtpu: 0.0.44.dev20260713+nightly
codegen_flags: <defaults>
</compile_context>

<pallas_src>
import functools

import jax
import jax.numpy as jnp
from jax import lax
from jax.experimental import pallas as pl
from jax.experimental.pallas import tpu as pltpu
from jax.experimental.pallas import tpu_sc as plsc

L = 16
K = 128
NW = 32
N_SUB = 16
BNPOST = 1024


def _pre_body(h_ref, w_ref, b_ref, a_ref, hw_ref):
    hw = jnp.dot(h_ref[...], w_ref[...], preferred_element_type=jnp.float32)
    hw_ref[...] = hw.astype(jnp.bfloat16)
    a_ref[...] = (hw + b_ref[...]).astype(jnp.bfloat16)


def _pre(h, We1, be1):
    N, D = h.shape
    BN = 400
    return pl.pallas_call(
        _pre_body,
        grid=(N // BN,),
        in_specs=[
            pl.BlockSpec((BN, D), lambda i: (i, 0)),
            pl.BlockSpec((D, D), lambda i: (0, 0)),
            pl.BlockSpec((1, D), lambda i: (0, 0)),
        ],
        out_specs=[
            pl.BlockSpec((BN, D), lambda i: (i, 0)),
            pl.BlockSpec((BN, D), lambda i: (i, 0)),
        ],
        out_shape=[
            jax.ShapeDtypeStruct((N, D), jnp.bfloat16),
            jax.ShapeDtypeStruct((N, D), jnp.bfloat16),
        ],
    )(h, We1, be1.reshape(1, D))


def _edge_sc(A, B, row_r, col_r, n_pad, n_blk):
    N, D = A.shape
    bpw = (-(-n_blk // NW) + 7) // 8 * 8
    rows_per_sub = n_pad // N_SUB
    mesh = plsc.VectorSubcoreMesh(core_axis_name="c", subcore_axis_name="s")

    @functools.partial(
        pl.kernel,
        out_type=[
            jax.ShapeDtypeStruct((2, n_pad, D), jnp.bfloat16),
            jax.ShapeDtypeStruct((NW, n_pad), jnp.float32),
        ],
        mesh=mesh,
        compiler_params=pltpu.CompilerParams(needs_layout_passes=False,
                                             use_tc_tiling_on_sc=False),
        scratch_types=[
            pltpu.VMEM((8, K), jnp.int32),
            pltpu.VMEM((8, K), jnp.int32),
            pltpu.VMEM((K, D), jnp.bfloat16),
            pltpu.VMEM((K, D), jnp.bfloat16),
            pltpu.VMEM((K, D), jnp.bfloat16),
            pltpu.VMEM((K, D), jnp.bfloat16),
            pltpu.VMEM((n_pad,), jnp.float32),
            pltpu.VMEM_SHARED((n_pad, D), jnp.bfloat16),
            pltpu.SemaphoreType.DMA,
            pltpu.SemaphoreType.DMA,
            pltpu.SemaphoreType.DMA,
            pltpu.SemaphoreType.DMA,
            pltpu.SemaphoreType.DMA,
            pltpu.SemaphoreType.DMA,
        ],
    )
    def k(a_hbm, b_hbm, row_hbm, col_hbm, s_out, deg_out, row_v, col_v,
          a0_buf, b0_buf, a1_buf, b1_buf, deg_v, s_acc,
          sem_a0, sem_b0, sem_a1, sem_b1, sem_s0, sem_s1):
        c = lax.axis_index("c")
        s = lax.axis_index("s")
        wid = s * 2 + c

        def zero_row(e, carry):
            for j in range(D // (2 * L)):
                a0_buf[e, pl.ds(j * 2 * L, 2 * L)] = jnp.zeros(
                    (2 * L,), jnp.bfloat16)
            return carry
        lax.fori_loop(0, K, zero_row, 0)

        def zero_deg(t, carry):
            deg_v[pl.ds(t * L, L)] = jnp.zeros((L,), jnp.float32)
            return carry
        lax.fori_loop(0, n_pad // L, zero_deg, 0)
        sub0 = s * rows_per_sub
        for t in range(rows_per_sub // K):
            pltpu.sync_copy(a0_buf, s_acc.at[pl.ds(sub0 + t * K, K)])
        plsc.subcore_barrier()

        b0 = wid * bpw
        nb = jnp.maximum(jnp.minimum(bpw, n_blk - b0), 0)
        ones_v = jnp.ones((L,), jnp.float32)
        sets = ((a0_buf, b0_buf, sem_a0, sem_b0, sem_s0),
                (a1_buf, b1_buf, sem_a1, sem_b1, sem_s1))

        def start(i, st):
            a_buf, b_buf, sem_a, sem_b, _ = sets[st]
            pltpu.async_copy(a_hbm.at[row_v.at[i]], a_buf, sem_a)
            pltpu.async_copy(b_hbm.at[col_v.at[i]], b_buf, sem_b)

        def wait_scatter(st):
            a_buf, sem_s = sets[st][0], sets[st][4]
            pltpu.make_async_copy(a_buf, s_acc.at[pl.ds(0, K)], sem_s).wait()

        def finish(i, st):
            a_buf, b_buf, sem_a, sem_b, sem_s = sets[st]
            for j in range(K // L):
                rv = row_v[i, pl.ds(j * L, L)]
                plsc.addupdate_scatter(deg_v, [rv], ones_v)
            pltpu.make_async_copy(a_hbm.at[pl.ds(0, K)], a_buf, sem_a).wait()
            pltpu.make_async_copy(b_hbm.at[pl.ds(0, K)], b_buf, sem_b).wait()

            def edge(e, carry3):
                for j in range(D // (2 * L)):
                    av = a_buf[e, pl.ds(j * 2 * L, 2 * L)]
                    bv = b_buf[e, pl.ds(j * 2 * L, 2 * L)]
                    a_buf[e, pl.ds(j * 2 * L, 2 * L)] = jnp.maximum(
                        av - bv, jnp.bfloat16(0))
                return carry3
            lax.fori_loop(0, K, edge, 0)
            pltpu.async_copy(a_buf, s_acc.at[row_v.at[i]], sem_s, add=True)

        def group(g, carry):
            pltpu.sync_copy(row_hbm.at[pl.ds(b0 + g * 8, 8)], row_v)
            pltpu.sync_copy(col_hbm.at[pl.ds(b0 + g * 8, 8)], col_v)
            ni = jnp.minimum(nb - g * 8, 8)
            start(0, 0)

            def pair(p, carry2):
                i0 = 2 * p

                @pl.when(p > 0)
                def _():
                    wait_scatter(1)
                start(i0 + 1, 1)
                finish(i0, 0)

                @pl.when(i0 + 2 < ni)
                def _():
                    wait_scatter(0)
                    start(i0 + 2, 0)
                finish(i0 + 1, 1)
                return carry2
            lax.fori_loop(0, ni // 2, pair, 0)
            wait_scatter(0)
            wait_scatter(1)
            return carry
        lax.fori_loop(0, (nb + 7) // 8, group, 0)

        pltpu.sync_copy(deg_v, deg_out.at[wid])
        plsc.subcore_barrier()
        pltpu.sync_copy(s_acc.at[pl.ds(sub0, rows_per_sub)],
                        s_out.at[c, pl.ds(sub0, rows_per_sub)])

    return k(A, B, row_r, col_r)


def _post_body(h_ref, s_ref, d_ref, we2_ref, wn1a_ref, wn1b_ref, wn2_ref,
               be2_ref, bn1_ref, bn2_ref, out_ref):
    BN, D = h_ref.shape
    G = BN // D
    ssum = (s_ref[0].astype(jnp.float32) + s_ref[1].astype(jnp.float32))
    dgrid = jnp.sum(d_ref[...], axis=0)
    rsub = lax.broadcasted_iota(jnp.int32, (BN, G), 0) // D
    rmask = (rsub == lax.broadcasted_iota(jnp.int32, (BN, G), 1)).astype(
        jnp.float32)
    u = jnp.dot(rmask, dgrid, preferred_element_type=jnp.float32)
    lsub = lax.broadcasted_iota(jnp.int32, (BN, D), 0) % D
    qmask = (lsub == lax.broadcasted_iota(jnp.int32, (BN, D), 1)).astype(
        jnp.float32)
    deg = jnp.dot(u * qmask, jnp.ones((D, D), jnp.float32),
                  preferred_element_type=jnp.float32)
    cvec = jnp.dot(be2_ref[...], wn1b_ref[...],
                   preferred_element_type=jnp.float32)
    aggb = (jnp.dot(jnp.dot(ssum, we2_ref[...],
                            preferred_element_type=jnp.float32), wn1b_ref[...],
                    preferred_element_type=jnp.float32)
            + deg * cvec)
    pre = (jnp.dot(h_ref[...], wn1a_ref[...],
                   preferred_element_type=jnp.float32) + aggb + bn1_ref[...])
    act = jnp.maximum(pre, 0.0)
    out_ref[...] = (jnp.dot(act, wn2_ref[...],
                            preferred_element_type=jnp.float32) + bn2_ref[...])


def _post(h, S, deg_p, We2, Wn1a, Wn1b, Wn2, be2, bn1, bn2):
    N, D = h.shape
    G = BNPOST // D
    return pl.pallas_call(
        _post_body,
        grid=(-(-N // BNPOST),),
        in_specs=[
            pl.BlockSpec((BNPOST, D), lambda i: (i, 0)),
            pl.BlockSpec((2, BNPOST, D), lambda i: (0, i, 0)),
            pl.BlockSpec((NW, G, D), lambda i: (0, i, 0)),
            pl.BlockSpec((D, D), lambda i: (0, 0)),
            pl.BlockSpec((D, D), lambda i: (0, 0)),
            pl.BlockSpec((D, D), lambda i: (0, 0)),
            pl.BlockSpec((D, D), lambda i: (0, 0)),
            pl.BlockSpec((1, D), lambda i: (0, 0)),
            pl.BlockSpec((1, D), lambda i: (0, 0)),
            pl.BlockSpec((1, D), lambda i: (0, 0)),
        ],
        out_specs=pl.BlockSpec((BNPOST, D), lambda i: (i, 0)),
        out_shape=jax.ShapeDtypeStruct((N, D), jnp.float32),
    )(h, S, deg_p, We2, Wn1a, Wn1b, Wn2, be2.reshape(1, D),
      bn1.reshape(1, D), bn2.reshape(1, D))


def kernel(h, edge_index, We1, be1, We2, be2, Wn1, bn1, Wn2, bn2):
    N, D = h.shape
    E = edge_index.shape[1]
    n_blk = E // K
    assert n_blk * K == E and D % L == 0
    bpw = (-(-n_blk // NW) + 7) // 8 * 8
    n_blk_pad = bpw * NW
    n_pad = ((N + BNPOST - 1) // BNPOST) * BNPOST

    row = edge_index[0]
    col = edge_index[1]
    pad_e = n_blk_pad * K - E
    row_r = jnp.pad(row, (0, pad_e)).reshape(n_blk_pad, K)
    col_r = jnp.pad(col, (0, pad_e)).reshape(n_blk_pad, K)

    A, B = _pre(h, We1, be1)
    S, deg_p = _edge_sc(A, B, row_r, col_r, n_pad, n_blk)

    return _post(h, S, deg_p.reshape(NW, n_pad // D, D), We2,
                 Wn1[:D], Wn1[D:], Wn2, be2, bn1, bn2)

# --- scband reference (transcript-rebuilt; emitter-appended) ---
"""Pipeline reference for scband-gcl-1056561954999 (READ-ONLY COPY).

The authoritative reference and input builder live on the scoring server;
editing this copy changes nothing except your own understanding.
"""

import jax, jax.numpy as jnp
import numpy as np

N = 10000
E = 320000
D = 128

def setup_inputs(seed: int = 0) -> dict:
    key = jax.random.key(seed)
    ks = jax.random.split(key, 12)
    h = jax.random.normal(ks[0], (N, D), dtype=jnp.float32)
    edge_index = jax.random.randint(ks[1], (2, E), 0, N, dtype=jnp.int32)
    s1 = (6.0 / (D + D)) ** 0.5
    s2 = (6.0 / (2 * D + D)) ** 0.5
    We1 = jax.random.uniform(ks[2], (D, D), dtype=jnp.float32, minval=-s1, maxval=s1)
    be1 = jnp.zeros((D,), dtype=jnp.float32)
    We2 = jax.random.uniform(ks[3], (D, D), dtype=jnp.float32, minval=-s1, maxval=s1)
    be2 = jnp.zeros((D,), dtype=jnp.float32)
    Wn1 = jax.random.uniform(ks[4], (2 * D, D), dtype=jnp.float32, minval=-s2, maxval=s2)
    bn1 = jnp.zeros((D,), dtype=jnp.float32)
    Wn2 = jax.random.uniform(ks[5], (D, D), dtype=jnp.float32, minval=-s1, maxval=s1)
    bn2 = jnp.zeros((D,), dtype=jnp.float32)
    return {"h": h, "edge_index": edge_index, "We1": We1, "be1": be1, "We2": We2, "be2": be2, "Wn1": Wn1, "bn1": bn1, "Wn2": Wn2, "bn2": bn2}

def reference(h, edge_index, We1, be1, We2, be2, Wn1, bn1, Wn2, bn2):
    row = edge_index[0]
    col = edge_index[1]
    # edge_model: MLP over (source - target)
    source = jnp.take(h, row, axis=0)
    target = jnp.take(h, col, axis=0)
    diff = source - target
    ef = jnp.maximum(diff @ We1 + be1, 0.0) @ We2 + be2
    # node_model: scatter-add edge features to destination (row), concat with h, MLP
    agg = jax.ops.segment_sum(ef, row, num_segments=h.shape[0])
    cat = jnp.concatenate([h, agg], axis=1)
    out = jnp.maximum(cat @ Wn1 + bn1, 0.0) @ Wn2 + bn2
    return out

if __name__ == "__main__":
    import jax
    _d = setup_inputs()
    print(jax.jit(kernel)(*tuple(_d.values())))

</pallas_src>

<mosaic_0001>
#map = affine_map<(d0, d1) -> (0, 0)>
#map1 = affine_map<(d0, d1) -> (0, 0, 0)>
module attributes {stable_mosaic.version = 14 : i64} {
  func.func @k(%arg0: i32, %arg1: i32, %arg2: memref<10000x128xbf16, #tpu.memory_space<hbm>>, %arg3: memref<10000x128xbf16, #tpu.memory_space<hbm>>, %arg4: memref<2560x128xi32, #tpu.memory_space<hbm>>, %arg5: memref<2560x128xi32, #tpu.memory_space<hbm>>, %arg6: memref<2x10240x128xbf16, #tpu.memory_space<hbm>>, %arg7: memref<32x10240xf32, #tpu.memory_space<hbm>>, %arg8: memref<8x128xi32, #tpu.memory_space<vmem>>, %arg9: memref<8x128xi32, #tpu.memory_space<vmem>>, %arg10: memref<128x128xbf16, #tpu.memory_space<vmem>>, %arg11: memref<128x128xbf16, #tpu.memory_space<vmem>>, %arg12: memref<128x128xbf16, #tpu.memory_space<vmem>>, %arg13: memref<128x128xbf16, #tpu.memory_space<vmem>>, %arg14: memref<10240xf32, #tpu.memory_space<vmem>>, %arg15: memref<10240x128xbf16, #tpu.memory_space<vmem_shared>>, %arg16: memref<!tpu.dma_semaphore, #tpu.memory_space<semaphore_mem>>, %arg17: memref<!tpu.dma_semaphore, #tpu.memory_space<semaphore_mem>>, %arg18: memref<!tpu.dma_semaphore, #tpu.memory_space<semaphore_mem>>, %arg19: memref<!tpu.dma_semaphore, #tpu.memory_space<semaphore_mem>>, %arg20: memref<!tpu.dma_semaphore, #tpu.memory_space<semaphore_mem>>, %arg21: memref<!tpu.dma_semaphore, #tpu.memory_space<semaphore_mem>>) attributes {dimension_semantics = [#tpu.dimension_semantics<core_parallel>, #tpu.dimension_semantics<subcore_parallel>], iteration_bounds = array<i64: 2, 16>, scalar_prefetch = 0 : i64, scratch_operands = 14 : i64, tpu.core_type = #tpu.core_type<sc_vector_subcore>, window_params = [{transform_indices = #map}, {transform_indices = #map}, {transform_indices = #map}, {transform_indices = #map}, {transform_indices = #map1}, {transform_indices = #map}]} {
    %mul3A = arith.constant 2 : i32
    %mul3A_0 = arith.muli %arg1, %mul3A : i32
    %add3A = arith.addi %mul3A_0, %arg0 : i32
    %scan3A = arith.constant 0 : i32
    %scan3A_1 = arith.constant 0 : i32
    %scan3A_2 = arith.constant 128 : i32
    %scan3A_3 = arith.addi %scan3A_1, %scan3A_2 : i32
    %scan3A_4 = arith.constant 1 : i32
    scf.for %scan3A_59 = %scan3A_1 to %scan3A_3 step %scan3A_4  : i32 {
      %broadcast_in_dim3A_60 = arith.constant 0.000000e+00 : bf16
      %broadcast_in_dim3A_61 = vector.broadcast %broadcast_in_dim3A_60 : bf16 to vector<32xbf16>
      %swap3A = arith.index_cast %scan3A_59 : i32 to index
      %swap3A_62 = arith.constant 0 : index
      %swap3A_63 = tpu.vector_load %arg10[%swap3A, %swap3A_62] {strides = array<i32>} : memref<128x128xbf16, #tpu.memory_space<vmem>>, vector<32xbf16>,
      tpu.vector_store %arg10[%swap3A, %swap3A_62], %broadcast_in_dim3A_61 {strides = array<i32>} : memref<128x128xbf16, #tpu.memory_space<vmem>>, vector<32xbf16>,
      %broadcast_in_dim3A_64 = arith.constant 0.000000e+00 : bf16
      %broadcast_in_dim3A_65 = vector.broadcast %broadcast_in_dim3A_64 : bf16 to vector<32xbf16>
      %swap3A_66 = arith.index_cast %scan3A_59 : i32 to index
      %swap3A_67 = arith.constant 32 : index
      %swap3A_68 = tpu.vector_load %arg10[%swap3A_66, %swap3A_67] {strides = array<i32>} : memref<128x128xbf16, #tpu.memory_space<vmem>>, vector<32xbf16>,
      tpu.vector_store %arg10[%swap3A_66, %swap3A_67], %broadcast_in_dim3A_65 {strides = array<i32>} : memref<128x128xbf16, #tpu.memory_space<vmem>>, vector<32xbf16>,
      %broadcast_in_dim3A_69 = arith.constant 0.000000e+00 : bf16
      %broadcast_in_dim3A_70 = vector.broadcast %broadcast_in_dim3A_69 : bf16 to vector<32xbf16>
      %swap3A_71 = arith.index_cast %scan3A_59 : i32 to index
      %swap3A_72 = arith.constant 64 : index
      %swap3A_73 = tpu.vector_load %arg10[%swap3A_71, %swap3A_72] {strides = array<i32>} : memref<128x128xbf16, #tpu.memory_space<vmem>>, vector<32xbf16>,
      tpu.vector_store %arg10[%swap3A_71, %swap3A_72], %broadcast_in_dim3A_70 {strides = array<i32>} : memref<128x128xbf16, #tpu.memory_space<vmem>>, vector<32xbf16>,
      %broadcast_in_dim3A_74 = arith.constant 0.000000e+00 : bf16
      %broadcast_in_dim3A_75 = vector.broadcast %broadcast_in_dim3A_74 : bf16 to vector<32xbf16>
      %swap3A_76 = arith.index_cast %scan3A_59 : i32 to index
      %swap3A_77 = arith.constant 96 : index
      %swap3A_78 = tpu.vector_load %arg10[%swap3A_76, %swap3A_77] {strides = array<i32>} : memref<128x128xbf16, #tpu.memory_space<vmem>>, vector<32xbf16>,
      tpu.vector_store %arg10[%swap3A_76, %swap3A_77], %broadcast_in_dim3A_75 {strides = array<i32>} : memref<128x128xbf16, #tpu.memory_space<vmem>>, vector<32xbf16>,
    }
    %scan3A_5 = arith.constant 128 : i32
    %scan3A_6 = arith.constant 0 : i32
    %scan3A_7 = arith.constant 0 : i32
    %scan3A_8 = arith.constant 640 : i32
    %scan3A_9 = arith.addi %scan3A_7, %scan3A_8 : i32
    %scan3A_10 = arith.constant 1 : i32
    scf.for %scan3A_59 = %scan3A_7 to %scan3A_9 step %scan3A_10  : i32 {
      %broadcast_in_dim3A_60 = arith.constant 0.000000e+00 : f32
      %broadcast_in_dim3A_61 = vector.broadcast %broadcast_in_dim3A_60 : f32 to vector<16xf32>
      %mul3A_62 = arith.constant 16 : i32
      %mul3A_63 = arith.muli %scan3A_59, %mul3A_62 : i32
      %swap3A = arith.index_cast %mul3A_63 : i32 to index
      %swap3A_64 = tpu.vector_load %arg14[%swap3A] {strides = array<i32>} : memref<10240xf32, #tpu.memory_space<vmem>>, vector<16xf32>,
      tpu.vector_store %arg14[%swap3A], %broadcast_in_dim3A_61 {strides = array<i32>} : memref<10240xf32, #tpu.memory_space<vmem>>, vector<16xf32>,
    }
    %scan3A_11 = arith.constant 640 : i32
    %mul3A_12 = arith.constant 640 : i32
    %mul3A_13 = arith.muli %arg1, %mul3A_12 : i32
    %add3A_14 = arith.constant 0 : i32
    %add3A_15 = arith.addi %mul3A_13, %add3A_14 : i32
    "tpu.region"() ({
      %run_scoped3A = tpu.sem_alloc : memref<!tpu.dma_semaphore, #tpu.memory_space<semaphore_mem>>
      %dma_start3A = arith.constant 0 : i32
      %dma_start3A_59 = tpu.memref_slice %arg15[%add3A_15, %dma_start3A] : memref<10240x128xbf16, #tpu.memory_space<vmem_shared>> -> memref<128x128xbf16, #tpu.memory_space<vmem_shared>>
      %dma_start3A_60 = arith.constant 0 : i32
      %dma_start3A_61 = tpu.memref_slice %arg15[%add3A_15, %dma_start3A_60] : memref<10240x128xbf16, #tpu.memory_space<vmem_shared>> -> memref<128x128xbf16, #tpu.memory_space<vmem_shared>>
      tpu.enqueue_dma source(%arg10 : memref<128x128xbf16, #tpu.memory_space<vmem>>) target(%dma_start3A_61 : memref<128x128xbf16, #tpu.memory_space<vmem_shared>>) target_semaphore(%run_scoped3A : memref<!tpu.dma_semaphore, #tpu.memory_space<semaphore_mem>>)
      %dma_wait3A = arith.constant 0 : i32
      %dma_wait3A_62 = tpu.memref_slice %arg15[%add3A_15, %dma_wait3A] : memref<10240x128xbf16, #tpu.memory_space<vmem_shared>> -> memref<128x128xbf16, #tpu.memory_space<vmem_shared>>
      %dma_wait3A_63 = arith.constant 0 : i32
      %dma_wait3A_64 = tpu.memref_slice %arg15[%add3A_15, %dma_wait3A_63] : memref<10240x128xbf16, #tpu.memory_space<vmem_shared>> -> memref<128x128xbf16, #tpu.memory_space<vmem_shared>>
      tpu.wait_dma2 semaphore(%run_scoped3A : memref<!tpu.dma_semaphore, #tpu.memory_space<semaphore_mem>>) src(%arg10 : memref<128x128xbf16, #tpu.memory_space<vmem>>) dst(%dma_wait3A_64 : memref<128x128xbf16, #tpu.memory_space<vmem_shared>>)
      tpu.yield
    }) : () -> ()
    %add3A_16 = arith.constant 128 : i32
    %add3A_17 = arith.addi %mul3A_13, %add3A_16 : i32
    "tpu.region"() ({
      %run_scoped3A = tpu.sem_alloc : memref<!tpu.dma_semaphore, #tpu.memory_space<semaphore_mem>>
      %dma_start3A = arith.constant 0 : i32
      %dma_start3A_59 = tpu.memref_slice %arg15[%add3A_17, %dma_start3A] : memref<10240x128xbf16, #tpu.memory_space<vmem_shared>> -> memref<128x128xbf16, #tpu.memory_space<vmem_shared>>
      %dma_start3A_60 = arith.constant 0 : i32
      %dma_start3A_61 = tpu.memref_slice %arg15[%add3A_17, %dma_start3A_60] : memref<10240x128xbf16, #tpu.memory_space<vmem_shared>> -> memref<128x128xbf16, #tpu.memory_space<vmem_shared>>
      tpu.enqueue_dma source(%arg10 : memref<128x128xbf16, #tpu.memory_space<vmem>>) target(%dma_start3A_61 : memref<128x128xbf16, #tpu.memory_space<vmem_shared>>) target_semaphore(%run_scoped3A : memref<!tpu.dma_semaphore, #tpu.memory_space<semaphore_mem>>)
      %dma_wait3A = arith.constant 0 : i32
      %dma_wait3A_62 = tpu.memref_slice %arg15[%add3A_17, %dma_wait3A] : memref<10240x128xbf16, #tpu.memory_space<vmem_shared>> -> memref<128x128xbf16, #tpu.memory_space<vmem_shared>>
      %dma_wait3A_63 = arith.constant 0 : i32
      %dma_wait3A_64 = tpu.memref_slice %arg15[%add3A_17, %dma_wait3A_63] : memref<10240x128xbf16, #tpu.memory_space<vmem_shared>> -> memref<128x128xbf16, #tpu.memory_space<vmem_shared>>
      tpu.wait_dma2 semaphore(%run_scoped3A : memref<!tpu.dma_semaphore, #tpu.memory_space<semaphore_mem>>) src(%arg10 : memref<128x128xbf16, #tpu.memory_space<vmem>>) dst(%dma_wait3A_64 : memref<128x128xbf16, #tpu.memory_space<vmem_shared>>)
      tpu.yield
    }) : () -> ()
    %add3A_18 = arith.constant 256 : i32
    %add3A_19 = arith.addi %mul3A_13, %add3A_18 : i32
    "tpu.region"() ({
      %run_scoped3A = tpu.sem_alloc : memref<!tpu.dma_semaphore, #tpu.memory_space<semaphore_mem>>
      %dma_start3A = arith.constant 0 : i32
      %dma_start3A_59 = tpu.memref_slice %arg15[%add3A_19, %dma_start3A] : memref<10240x128xbf16, #tpu.memory_space<vmem_shared>> -> memref<128x128xbf16, #tpu.memory_space<vmem_shared>>
      %dma_start3A_60 = arith.constant 0 : i32
      %dma_start3A_61 = tpu.memref_slice %arg15[%add3A_19, %dma_start3A_60] : memref<10240x128xbf16, #tpu.memory_space<vmem_shared>> -> memref<128x128xbf16, #tpu.memory_space<vmem_shared>>
      tpu.enqueue_dma source(%arg10 : memref<128x128xbf16, #tpu.memory_space<vmem>>) target(%dma_start3A_61 : memref<128x128xbf16, #tpu.memory_space<vmem_shared>>) target_semaphore(%run_scoped3A : memref<!tpu.dma_semaphore, #tpu.memory_space<semaphore_mem>>)
      %dma_wait3A = arith.constant 0 : i32
      %dma_wait3A_62 = tpu.memref_slice %arg15[%add3A_19, %dma_wait3A] : memref<10240x128xbf16, #tpu.memory_space<vmem_shared>> -> memref<128x128xbf16, #tpu.memory_space<vmem_shared>>
      %dma_wait3A_63 = arith.constant 0 : i32
      %dma_wait3A_64 = tpu.memref_slice %arg15[%add3A_19, %dma_wait3A_63] : memref<10240x128xbf16, #tpu.memory_space<vmem_shared>> -> memref<128x128xbf16, #tpu.memory_space<vmem_shared>>
      tpu.wait_dma2 semaphore(%run_scoped3A : memref<!tpu.dma_semaphore, #tpu.memory_space<semaphore_mem>>) src(%arg10 : memref<128x128xbf16, #tpu.memory_space<vmem>>) dst(%dma_wait3A_64 : memref<128x128xbf16, #tpu.memory_space<vmem_shared>>)
      tpu.yield
    }) : () -> ()
    %add3A_20 = arith.constant 384 : i32
    %add3A_21 = arith.addi %mul3A_13, %add3A_20 : i32
    "tpu.region"() ({
      %run_scoped3A = tpu.sem_alloc : memref<!tpu.dma_semaphore, #tpu.memory_space<semaphore_mem>>
      %dma_start3A = arith.constant 0 : i32
      %dma_start3A_59 = tpu.memref_slice %arg15[%add3A_21, %dma_start3A] : memref<10240x128xbf16, #tpu.memory_space<vmem_shared>> -> memref<128x128xbf16, #tpu.memory_space<vmem_shared>>
      %dma_start3A_60 = arith.constant 0 : i32
      %dma_start3A_61 = tpu.memref_slice %arg15[%add3A_21, %dma_start3A_60] : memref<10240x128xbf16, #tpu.memory_space<vmem_shared>> -> memref<128x128xbf16, #tpu.memory_space<vmem_shared>>
      tpu.enqueue_dma source(%arg10 : memref<128x128xbf16, #tpu.memory_space<vmem>>) target(%dma_start3A_61 : memref<128x128xbf16, #tpu.memory_space<vmem_shared>>) target_semaphore(%run_scoped3A : memref<!tpu.dma_semaphore, #tpu.memory_space<semaphore_mem>>)
      %dma_wait3A = arith.constant 0 : i32
      %dma_wait3A_62 = tpu.memref_slice %arg15[%add3A_21, %dma_wait3A] : memref<10240x128xbf16, #tpu.memory_space<vmem_shared>> -> memref<128x128xbf16, #tpu.memory_space<vmem_shared>>
      %dma_wait3A_63 = arith.constant 0 : i32
      %dma_wait3A_64 = tpu.memref_slice %arg15[%add3A_21, %dma_wait3A_63] : memref<10240x128xbf16, #tpu.memory_space<vmem_shared>> -> memref<128x128xbf16, #tpu.memory_space<vmem_shared>>
      tpu.wait_dma2 semaphore(%run_scoped3A : memref<!tpu.dma_semaphore, #tpu.memory_space<semaphore_mem>>) src(%arg10 : memref<128x128xbf16, #tpu.memory_space<vmem>>) dst(%dma_wait3A_64 : memref<128x128xbf16, #tpu.memory_space<vmem_shared>>)
      tpu.yield
    }) : () -> ()
    %add3A_22 = arith.constant 512 : i32
    %add3A_23 = arith.addi %mul3A_13, %add3A_22 : i32
    "tpu.region"() ({
      %run_scoped3A = tpu.sem_alloc : memref<!tpu.dma_semaphore, #tpu.memory_space<semaphore_mem>>
      %dma_start3A = arith.constant 0 : i32
      %dma_start3A_59 = tpu.memref_slice %arg15[%add3A_23, %dma_start3A] : memref<10240x128xbf16, #tpu.memory_space<vmem_shared>> -> memref<128x128xbf16, #tpu.memory_space<vmem_shared>>
      %dma_start3A_60 = arith.constant 0 : i32
      %dma_start3A_61 = tpu.memref_slice %arg15[%add3A_23, %dma_start3A_60] : memref<10240x128xbf16, #tpu.memory_space<vmem_shared>> -> memref<128x128xbf16, #tpu.memory_space<vmem_shared>>
      tpu.enqueue_dma source(%arg10 : memref<128x128xbf16, #tpu.memory_space<vmem>>) target(%dma_start3A_61 : memref<128x128xbf16, #tpu.memory_space<vmem_shared>>) target_semaphore(%run_scoped3A : memref<!tpu.dma_semaphore, #tpu.memory_space<semaphore_mem>>)
      %dma_wait3A = arith.constant 0 : i32
      %dma_wait3A_62 = tpu.memref_slice %arg15[%add3A_23, %dma_wait3A] : memref<10240x128xbf16, #tpu.memory_space<vmem_shared>> -> memref<128x128xbf16, #tpu.memory_space<vmem_shared>>
      %dma_wait3A_63 = arith.constant 0 : i32
      %dma_wait3A_64 = tpu.memref_slice %arg15[%add3A_23, %dma_wait3A_63] : memref<10240x128xbf16, #tpu.memory_space<vmem_shared>> -> memref<128x128xbf16, #tpu.memory_space<vmem_shared>>
      tpu.wait_dma2 semaphore(%run_scoped3A : memref<!tpu.dma_semaphore, #tpu.memory_space<semaphore_mem>>) src(%arg10 : memref<128x128xbf16, #tpu.memory_space<vmem>>) dst(%dma_wait3A_64 : memref<128x128xbf16, #tpu.memory_space<vmem_shared>>)
      tpu.yield
    }) : () -> ()
    %barrier3A = arith.constant 0 : index
    tpu.barrier barrier_id(%barrier3A)
    %mul3A_24 = arith.constant 80 : i32
    %mul3A_25 = arith.muli %add3A, %mul3A_24 : i32
    %sub3A = arith.constant 2500 : i32
    %sub3A_26 = arith.subi %sub3A, %mul3A_25 : i32
    %min3A = arith.constant 80 : i32
    %min3A_27 = arith.minsi %min3A, %sub3A_26 : i32
    %max3A = arith.constant 0 : i32
    %max3A_28 = arith.maxsi %min3A_27, %max3A : i32
    %broadcast_in_dim3A = arith.constant 1.000000e+00 : f32
    %broadcast_in_dim3A_29 = vector.broadcast %broadcast_in_dim3A : f32 to vector<16xf32>
    %add3A_30 = arith.constant 7 : i32
    %add3A_31 = arith.addi %max3A_28, %add3A_30 : i32
    %jit3A = arith.constant 8 : i32
    %div3A = arith.divsi %add3A_31, %jit3A : i32
    %sign3A = arith.constant 0 : i32
    %sign3A_32 = arith.cmpi sgt, %add3A_31, %sign3A : i32
    %sign3A_33 = arith.extui %sign3A_32 : i1 to i32
    %sign3A_34 = arith.constant 0 : i32
    %sign3A_35 = arith.cmpi slt, %add3A_31, %sign3A_34 : i32
    %sign3A_36 = arith.extui %sign3A_35 : i1 to i32
    %sign3A_37 = arith.subi %sign3A_33, %sign3A_36 : i32
    %sign3A_38 = arith.constant 0 : i32
    %sign3A_39 = arith.cmpi sgt, %jit3A, %sign3A_38 : i32
    %sign3A_40 = arith.extui %sign3A_39 : i1 to i32
    %sign3A_41 = arith.constant 0 : i32
    %sign3A_42 = arith.cmpi slt, %jit3A, %sign3A_41 : i32
    %sign3A_43 = arith.extui %sign3A_42 : i1 to i32
    %sign3A_44 = arith.subi %sign3A_40, %sign3A_43 : i32
    %ne3A = arith.cmpi ne, %sign3A_37, %sign3A_44 : i32
    %rem3A = arith.remsi %add3A_31, %jit3A : i32
    %ne3A_45 = arith.constant 0 : i32
    %ne3A_46 = arith.cmpi ne, %rem3A, %ne3A_45 : i32
    %and3A = arith.andi %ne3A, %ne3A_46 : i1
    %sub3A_47 = arith.constant 1 : i32
    %sub3A_48 = arith.subi %div3A, %sub3A_47 : i32
    %select_n3A = arith.select %and3A, %sub3A_48, %div3A : i32
    %while3A = arith.constant 0 : i32
    %while3A_49 = arith.constant 0 : i32
    %while3A_50 = arith.subi %select_n3A, %while3A_49 : i32
    %while3A_51 = arith.addi %while3A_49, %while3A_50 : i32
    %while3A_52 = arith.constant 1 : i32
    %while3A_53 = arith.divsi %while3A_50, %while3A_52 : i32
    %while3A_54 = arith.muli %while3A_53, %while3A_52 : i32
    %while3A_55 = arith.addi %while3A_49, %while3A_54 : i32
    %while3A_56 = arith.constant 1 : i32
    scf.for %while3A_59 = %while3A_49 to %while3A_55 step %while3A_56  : i32 {
      %mul3A_60 = arith.constant 8 : i32
      %mul3A_61 = arith.muli %while3A_59, %mul3A_60 : i32
      %add3A_62 = arith.addi %mul3A_25, %mul3A_61 : i32
      "tpu.region"() ({
        %run_scoped3A = tpu.sem_alloc : memref<!tpu.dma_semaphore, #tpu.memory_space<semaphore_mem>>
        %dma_start3A_129 = arith.constant 0 : i32
        %dma_start3A_130 = tpu.memref_slice %arg4[%add3A_62, %dma_start3A_129] : memref<2560x128xi32, #tpu.memory_space<hbm>> -> memref<8x128xi32, #tpu.memory_space<hbm>>
        %dma_start3A_131 = arith.constant 0 : i32
        %dma_start3A_132 = tpu.memref_slice %arg4[%add3A_62, %dma_start3A_131] : memref<2560x128xi32, #tpu.memory_space<hbm>> -> memref<8x128xi32, #tpu.memory_space<hbm>>
        tpu.enqueue_dma source(%dma_start3A_132 : memref<8x128xi32, #tpu.memory_space<hbm>>) target(%arg8 : memref<8x128xi32, #tpu.memory_space<vmem>>) target_semaphore(%run_scoped3A : memref<!tpu.dma_semaphore, #tpu.memory_space<semaphore_mem>>)
        %dma_wait3A_133 = arith.constant 0 : i32
        %dma_wait3A_134 = tpu.memref_slice %arg4[%add3A_62, %dma_wait3A_133] : memref<2560x128xi32, #tpu.memory_space<hbm>> -> memref<8x128xi32, #tpu.memory_space<hbm>>
        %dma_wait3A_135 = arith.constant 0 : i32
        %dma_wait3A_136 = tpu.memref_slice %arg4[%add3A_62, %dma_wait3A_135] : memref<2560x128xi32, #tpu.memory_space<hbm>> -> memref<8x128xi32, #tpu.memory_space<hbm>>
        tpu.wait_dma2 semaphore(%run_scoped3A : memref<!tpu.dma_semaphore, #tpu.memory_space<semaphore_mem>>) src(%dma_wait3A_136 : memref<8x128xi32, #tpu.memory_space<hbm>>) dst(%arg8 : memref<8x128xi32, #tpu.memory_space<vmem>>)
        tpu.yield
      }) : () -> ()
      %mul3A_63 = arith.constant 8 : i32
      %mul3A_64 = arith.muli %while3A_59, %mul3A_63 : i32
      %add3A_65 = arith.addi %mul3A_25, %mul3A_64 : i32
      "tpu.region"() ({
        %run_scoped3A = tpu.sem_alloc : memref<!tpu.dma_semaphore, #tpu.memory_space<semaphore_mem>>
        %dma_start3A_129 = arith.constant 0 : i32
        %dma_start3A_130 = tpu.memref_slice %arg5[%add3A_65, %dma_start3A_129] : memref<2560x128xi32, #tpu.memory_space<hbm>> -> memref<8x128xi32, #tpu.memory_space<hbm>>
        %dma_start3A_131 = arith.constant 0 : i32
        %dma_start3A_132 = tpu.memref_slice %arg5[%add3A_65, %dma_start3A_131] : memref<2560x128xi32, #tpu.memory_space<hbm>> -> memref<8x128xi32, #tpu.memory_space<hbm>>
        tpu.enqueue_dma source(%dma_start3A_132 : memref<8x128xi32, #tpu.memory_space<hbm>>) target(%arg9 : memref<8x128xi32, #tpu.memory_space<vmem>>) target_semaphore(%run_scoped3A : memref<!tpu.dma_semaphore, #tpu.memory_space<semaphore_mem>>)
        %dma_wait3A_133 = arith.constant 0 : i32
        %dma_wait3A_134 = tpu.memref_slice %arg5[%add3A_65, %dma_wait3A_133] : memref<2560x128xi32, #tpu.memory_space<hbm>> -> memref<8x128xi32, #tpu.memory_space<hbm>>
        %dma_wait3A_135 = arith.constant 0 : i32
        %dma_wait3A_136 = tpu.memref_slice %arg5[%add3A_65, %dma_wait3A_135] : memref<2560x128xi32, #tpu.memory_space<hbm>> -> memref<8x128xi32, #tpu.memory_space<hbm>>
        tpu.wait_dma2 semaphore(%run_scoped3A : memref<!tpu.dma_semaphore, #tpu.memory_space<semaphore_mem>>) src(%dma_wait3A_136 : memref<8x128xi32, #tpu.memory_space<hbm>>) dst(%arg9 : memref<8x128xi32, #tpu.memory_space<vmem>>)
        tpu.yield
      }) : () -> ()
      %mul3A_66 = arith.constant 8 : i32
      %mul3A_67 = arith.muli %while3A_59, %mul3A_66 : i32
      %sub3A_68 = arith.subi %max3A_28, %mul3A_67 : i32
      %min3A_69 = arith.constant 8 : i32
      %min3A_70 = arith.minsi %sub3A_68, %min3A_69 : i32
      %dma_start3A = arith.constant 0 : i32
      %dma_start3A_71 = arith.constant 0 : i32
      %dma_start3A_72 = tpu.memref_slice %arg8[%dma_start3A, %dma_start3A_71] : memref<8x128xi32, #tpu.memory_space<vmem>> -> memref<1x128xi32, #tpu.memory_space<vmem>>
      %dma_start3A_73 = tpu.memref_squeeze %dma_start3A_72 : memref<1x128xi32, #tpu.memory_space<vmem>> -> memref<128xi32, #tpu.memory_space<vmem>>
      %dma_start3A_74 = arith.constant 0 : i32
      %dma_start3A_75 = arith.constant 0 : i32
      %dma_start3A_76 = tpu.memref_slice %arg2[%dma_start3A_74, %dma_start3A_75] : memref<10000x128xbf16, #tpu.memory_space<hbm>> -> memref<10000x128xbf16, #tpu.memory_space<hbm>>
      tpu.enqueue_indirect_dma source(%dma_start3A_76 : memref<10000x128xbf16, #tpu.memory_space<hbm>>) target(%arg10 : memref<128x128xbf16, #tpu.memory_space<vmem>>) offsets(%dma_start3A_73 : memref<128xi32, #tpu.memory_space<vmem>>) semaphore(%arg16 : memref<!tpu.dma_semaphore, #tpu.memory_space<semaphore_mem>>)
      %dma_start3A_77 = arith.constant 0 : i32
      %dma_start3A_78 = arith.constant 0 : i32
      %dma_start3A_79 = tpu.memref_slice %arg9[%dma_start3A_77, %dma_start3A_78] : memref<8x128xi32, #tpu.memory_space<vmem>> -> memref<1x128xi32, #tpu.memory_space<vmem>>
      %dma_start3A_80 = tpu.memref_squeeze %dma_start3A_79 : memref<1x128xi32, #tpu.memory_space<vmem>> -> memref<128xi32, #tpu.memory_space<vmem>>
      %dma_start3A_81 = arith.constant 0 : i32
      %dma_start3A_82 = arith.constant 0 : i32
      %dma_start3A_83 = tpu.memref_slice %arg3[%dma_start3A_81, %dma_start3A_82] : memref<10000x128xbf16, #tpu.memory_space<hbm>> -> memref<10000x128xbf16, #tpu.memory_space<hbm>>
      tpu.enqueue_indirect_dma source(%dma_start3A_83 : memref<10000x128xbf16, #tpu.memory_space<hbm>>) target(%arg11 : memref<128x128xbf16, #tpu.memory_space<vmem>>) offsets(%dma_start3A_80 : memref<128xi32, #tpu.memory_space<vmem>>) semaphore(%arg17 : memref<!tpu.dma_semaphore, #tpu.memory_space<semaphore_mem>>)
      %jit3A_84 = arith.constant 2 : i32
      %div3A_85 = arith.divsi %min3A_70, %jit3A_84 : i32
      %sign3A_86 = arith.constant 0 : i32
      %sign3A_87 = arith.cmpi sgt, %min3A_70, %sign3A_86 : i32
      %sign3A_88 = arith.extui %sign3A_87 : i1 to i32
      %sign3A_89 = arith.constant 0 : i32
      %sign3A_90 = arith.cmpi slt, %min3A_70, %sign3A_89 : i32
      %sign3A_91 = arith.extui %sign3A_90 : i1 to i32
      %sign3A_92 = arith.subi %sign3A_88, %sign3A_91 : i32
      %sign3A_93 = arith.constant 0 : i32
      %sign3A_94 = arith.cmpi sgt, %jit3A_84, %sign3A_93 : i32
      %sign3A_95 = arith.extui %sign3A_94 : i1 to i32
      %sign3A_96 = arith.constant 0 : i32
      %sign3A_97 = arith.cmpi slt, %jit3A_84, %sign3A_96 : i32
      %sign3A_98 = arith.extui %sign3A_97 : i1 to i32
      %sign3A_99 = arith.subi %sign3A_95, %sign3A_98 : i32
      %ne3A_100 = arith.cmpi ne, %sign3A_92, %sign3A_99 : i32
      %rem3A_101 = arith.remsi %min3A_70, %jit3A_84 : i32
      %ne3A_102 = arith.constant 0 : i32
      %ne3A_103 = arith.cmpi ne, %rem3A_101, %ne3A_102 : i32
      %and3A_104 = arith.andi %ne3A_100, %ne3A_103 : i1
      %sub3A_105 = arith.constant 1 : i32
      %sub3A_106 = arith.subi %div3A_85, %sub3A_105 : i32
      %select_n3A_107 = arith.select %and3A_104, %sub3A_106, %div3A_85 : i32
      %while3A_108 = arith.constant 0 : i32
      %while3A_109 = arith.constant 0 : i32
      %while3A_110 = arith.subi %select_n3A_107, %while3A_109 : i32
      %while3A_111 = arith.addi %while3A_109, %while3A_110 : i32
      %while3A_112 = arith.constant 1 : i32
      %while3A_113 = arith.divsi %while3A_110, %while3A_112 : i32
      %while3A_114 = arith.muli %while3A_113, %while3A_112 : i32
      %while3A_115 = arith.addi %while3A_109, %while3A_114 : i32
      %while3A_116 = arith.constant 1 : i32
      scf.for %while3A_129 = %while3A_109 to %while3A_115 step %while3A_116  : i32 {
        %mul3A_130 = arith.constant 2 : i32
        %mul3A_131 = arith.muli %mul3A_130, %while3A_129 : i32
        %gt3A = arith.constant 0 : i32
        %gt3A_132 = arith.cmpi sgt, %while3A_129, %gt3A : i32
        %convert_element_type3A = arith.extui %gt3A_132 : i1 to i32
        %cond3A = arith.constant 0 : i32
        %cond3A_133 = arith.cmpi ne, %convert_element_type3A, %cond3A : i32
        scf.if %cond3A_133 {
          %dma_wait3A_250 = arith.constant 0 : i32
          %dma_wait3A_251 = arith.constant 0 : i32
          %dma_wait3A_252 = tpu.memref_slice %arg15[%dma_wait3A_250, %dma_wait3A_251] : memref<10240x128xbf16, #tpu.memory_space<vmem_shared>> -> memref<128x128xbf16, #tpu.memory_space<vmem_shared>>
          %dma_wait3A_253 = arith.constant 0 : i32
          %dma_wait3A_254 = arith.constant 0 : i32
          %dma_wait3A_255 = tpu.memref_slice %arg15[%dma_wait3A_253, %dma_wait3A_254] : memref<10240x128xbf16, #tpu.memory_space<vmem_shared>> -> memref<128x128xbf16, #tpu.memory_space<vmem_shared>>
          tpu.wait_dma2 semaphore(%arg21 : memref<!tpu.dma_semaphore, #tpu.memory_space<semaphore_mem>>) src(%arg12 : memref<128x128xbf16, #tpu.memory_space<vmem>>) dst(%dma_wait3A_255 : memref<128x128xbf16, #tpu.memory_space<vmem_shared>>)
        } else {
        }
        %add3A_134 = arith.constant 1 : i32
        %add3A_135 = arith.addi %mul3A_131, %add3A_134 : i32
        %dma_start3A_136 = arith.constant 0 : i32
        %dma_start3A_137 = tpu.memref_slice %arg8[%add3A_135, %dma_start3A_136] : memref<8x128xi32, #tpu.memory_space<vmem>> -> memref<1x128xi32, #tpu.memory_space<vmem>>
        %dma_start3A_138 = tpu.memref_squeeze %dma_start3A_137 : memref<1x128xi32, #tpu.memory_space<vmem>> -> memref<128xi32, #tpu.memory_space<vmem>>
        %dma_start3A_139 = arith.constant 0 : i32
        %dma_start3A_140 = arith.constant 0 : i32
        %dma_start3A_141 = tpu.memref_slice %arg2[%dma_start3A_139, %dma_start3A_140] : memref<10000x128xbf16, #tpu.memory_space<hbm>> -> memref<10000x128xbf16, #tpu.memory_space<hbm>>
        tpu.enqueue_indirect_dma source(%dma_start3A_141 : memref<10000x128xbf16, #tpu.memory_space<hbm>>) target(%arg12 : memref<128x128xbf16, #tpu.memory_space<vmem>>) offsets(%dma_start3A_138 : memref<128xi32, #tpu.memory_space<vmem>>) semaphore(%arg18 : memref<!tpu.dma_semaphore, #tpu.memory_space<semaphore_mem>>)
        %dma_start3A_142 = arith.constant 0 : i32
        %dma_start3A_143 = tpu.memref_slice %arg9[%add3A_135, %dma_start3A_142] : memref<8x128xi32, #tpu.memory_space<vmem>> -> memref<1x128xi32, #tpu.memory_space<vmem>>
        %dma_start3A_144 = tpu.memref_squeeze %dma_start3A_143 : memref<1x128xi32, #tpu.memory_space<vmem>> -> memref<128xi32, #tpu.memory_space<vmem>>
        %dma_start3A_145 = arith.constant 0 : i32
        %dma_start3A_146 = arith.constant 0 : i32
        %dma_start3A_147 = tpu.memref_slice %arg3[%dma_start3A_145, %dma_start3A_146] : memref<10000x128xbf16, #tpu.memory_space<hbm>> -> memref<10000x128xbf16, #tpu.memory_space<hbm>>
        tpu.enqueue_indirect_dma source(%dma_start3A_147 : memref<10000x128xbf16, #tpu.memory_space<hbm>>) target(%arg13 : memref<128x128xbf16, #tpu.memory_space<vmem>>) offsets(%dma_start3A_144 : memref<128xi32, #tpu.memory_space<vmem>>) semaphore(%arg19 : memref<!tpu.dma_semaphore, #tpu.memory_space<semaphore_mem>>)
        %get3A = arith.index_cast %mul3A_131 : i32 to index
        %get3A_148 = arith.constant 0 : index
        %get3A_149 = tpu.vector_load %arg8[%get3A, %get3A_148] {strides = array<i32>} : memref<8x128xi32, #tpu.memory_space<vmem>>, vector<16xi32>,
        tpu.vector_store_idx %arg14[%get3A_149], %broadcast_in_dim3A_29 {add = true} : memref<10240xf32, #tpu.memory_space<vmem>>[vector<16xi32>], vector<16xf32>,
        %get3A_150 = arith.index_cast %mul3A_131 : i32 to index
        %get3A_151 = arith.constant 16 : index
        %get3A_152 = tpu.vector_load %arg8[%get3A_150, %get3A_151] {strides = array<i32>} : memref<8x128xi32, #tpu.memory_space<vmem>>, vector<16xi32>,
        tpu.vector_store_idx %arg14[%get3A_152], %broadcast_in_dim3A_29 {add = true} : memref<10240xf32, #tpu.memory_space<vmem>>[vector<16xi32>], vector<16xf32>,
        %get3A_153 = arith.index_cast %mul3A_131 : i32 to index
        %get3A_154 = arith.constant 32 : index
        %get3A_155 = tpu.vector_load %arg8[%get3A_153, %get3A_154] {strides = array<i32>} : memref<8x128xi32, #tpu.memory_space<vmem>>, vector<16xi32>,
        tpu.vector_store_idx %arg14[%get3A_155], %broadcast_in_dim3A_29 {add = true} : memref<10240xf32, #tpu.memory_space<vmem>>[vector<16xi32>], vector<16xf32>,
        %get3A_156 = arith.index_cast %mul3A_131 : i32 to index
        %get3A_157 = arith.constant 48 : index
        %get3A_158 = tpu.vector_load %arg8[%get3A_156, %get3A_157] {strides = array<i32>} : memref<8x128xi32, #tpu.memory_space<vmem>>, vector<16xi32>,
        tpu.vector_store_idx %arg14[%get3A_158], %broadcast_in_dim3A_29 {add = true} : memref<10240xf32, #tpu.memory_space<vmem>>[vector<16xi32>], vector<16xf32>,
        %get3A_159 = arith.index_cast %mul3A_131 : i32 to index
        %get3A_160 = arith.constant 64 : index
        %get3A_161 = tpu.vector_load %arg8[%get3A_159, %get3A_160] {strides = array<i32>} : memref<8x128xi32, #tpu.memory_space<vmem>>, vector<16xi32>,
        tpu.vector_store_idx %arg14[%get3A_161], %broadcast_in_dim3A_29 {add = true} : memref<10240xf32, #tpu.memory_space<vmem>>[vector<16xi32>], vector<16xf32>,
        %get3A_162 = arith.index_cast %mul3A_131 : i32 to index
        %get3A_163 = arith.constant 80 : index
        %get3A_164 = tpu.vector_load %arg8[%get3A_162, %get3A_163] {strides = array<i32>} : memref<8x128xi32, #tpu.memory_space<vmem>>, vector<16xi32>,
        tpu.vector_store_idx %arg14[%get3A_164], %broadcast_in_dim3A_29 {add = true} : memref<10240xf32, #tpu.memory_space<vmem>>[vector<16xi32>], vector<16xf32>,
        %get3A_165 = arith.index_cast %mul3A_131 : i32 to index
        %get3A_166 = arith.constant 96 : index
        %get3A_167 = tpu.vector_load %arg8[%get3A_165, %get3A_166] {strides = array<i32>} : memref<8x128xi32, #tpu.memory_space<vmem>>, vector<16xi32>,
        tpu.vector_store_idx %arg14[%get3A_167], %broadcast_in_dim3A_29 {add = true} : memref<10240xf32, #tpu.memory_space<vmem>>[vector<16xi32>], vector<16xf32>,
        %get3A_168 = arith.index_cast %mul3A_131 : i32 to index
        %get3A_169 = arith.constant 112 : index
        %get3A_170 = tpu.vector_load %arg8[%get3A_168, %get3A_169] {strides = array<i32>} : memref<8x128xi32, #tpu.memory_space<vmem>>, vector<16xi32>,
        tpu.vector_store_idx %arg14[%get3A_170], %broadcast_in_dim3A_29 {add = true} : memref<10240xf32, #tpu.memory_space<vmem>>[vector<16xi32>], vector<16xf32>,
        %dma_wait3A_171 = arith.constant 0 : i32
        %dma_wait3A_172 = arith.constant 0 : i32
        %dma_wait3A_173 = tpu.memref_slice %arg2[%dma_wait3A_171, %dma_wait3A_172] : memref<10000x128xbf16, #tpu.memory_space<hbm>> -> memref<128x128xbf16, #tpu.memory_space<hbm>>
        %dma_wait3A_174 = arith.constant 0 : i32
        %dma_wait3A_175 = arith.constant 0 : i32
        %dma_wait3A_176 = tpu.memref_slice %arg2[%dma_wait3A_174, %dma_wait3A_175] : memref<10000x128xbf16, #tpu.memory_space<hbm>> -> memref<128x128xbf16, #tpu.memory_space<hbm>>
        tpu.wait_dma2 semaphore(%arg16 : memref<!tpu.dma_semaphore, #tpu.memory_space<semaphore_mem>>) src(%dma_wait3A_176 : memref<128x128xbf16, #tpu.memory_space<hbm>>) dst(%arg10 : memref<128x128xbf16, #tpu.memory_space<vmem>>)
        %dma_wait3A_177 = arith.constant 0 : i32
        %dma_wait3A_178 = arith.constant 0 : i32
        %dma_wait3A_179 = tpu.memref_slice %arg3[%dma_wait3A_177, %dma_wait3A_178] : memref<10000x128xbf16, #tpu.memory_space<hbm>> -> memref<128x128xbf16, #tpu.memory_space<hbm>>
        %dma_wait3A_180 = arith.constant 0 : i32
        %dma_wait3A_181 = arith.constant 0 : i32
        %dma_wait3A_182 = tpu.memref_slice %arg3[%dma_wait3A_180, %dma_wait3A_181] : memref<10000x128xbf16, #tpu.memory_space<hbm>> -> memref<128x128xbf16, #tpu.memory_space<hbm>>
        tpu.wait_dma2 semaphore(%arg17 : memref<!tpu.dma_semaphore, #tpu.memory_space<semaphore_mem>>) src(%dma_wait3A_182 : memref<128x128xbf16, #tpu.memory_space<hbm>>) dst(%arg11 : memref<128x128xbf16, #tpu.memory_space<vmem>>)
        %scan3A_183 = arith.constant 0 : i32
        %scan3A_184 = arith.constant 0 : i32
        %scan3A_185 = arith.constant 128 : i32
        %scan3A_186 = arith.addi %scan3A_184, %scan3A_185 : i32
        %scan3A_187 = arith.constant 1 : i32
        scf.for %scan3A_250 = %scan3A_184 to %scan3A_186 step %scan3A_187  : i32 {
          %get3A_251 = arith.index_cast %scan3A_250 : i32 to index
          %get3A_252 = arith.constant 0 : index
          %get3A_253 = tpu.vector_load %arg10[%get3A_251, %get3A_252] {strides = array<i32>} : memref<128x128xbf16, #tpu.memory_space<vmem>>, vector<32xbf16>,
          %get3A_254 = arith.index_cast %scan3A_250 : i32 to index
          %get3A_255 = arith.constant 0 : index
          %get3A_256 = tpu.vector_load %arg11[%get3A_254, %get3A_255] {strides = array<i32>} : memref<128x128xbf16, #tpu.memory_space<vmem>>, vector<32xbf16>,
          %sub3A_257 = arith.subf %get3A_253, %get3A_256 : vector<32xbf16>
          %max3A_258 = arith.constant 0.000000e+00 : bf16
          %max3A_259 = vector.broadcast %max3A_258 : bf16 to vector<32xbf16>
          %max3A_260 = arith.maximumf %sub3A_257, %max3A_259 : vector<32xbf16>
          %swap3A = arith.index_cast %scan3A_250 : i32 to index
          %swap3A_261 = arith.constant 0 : index
          %swap3A_262 = tpu.vector_load %arg10[%swap3A, %swap3A_261] {strides = array<i32>} : memref<128x128xbf16, #tpu.memory_space<vmem>>, vector<32xbf16>,
          tpu.vector_store %arg10[%swap3A, %swap3A_261], %max3A_260 {strides = array<i32>} : memref<128x128xbf16, #tpu.memory_space<vmem>>, vector<32xbf16>,
          %get3A_263 = arith.index_cast %scan3A_250 : i32 to index
          %get3A_264 = arith.constant 32 : index
          %get3A_265 = tpu.vector_load %arg10[%get3A_263, %get3A_264] {strides = array<i32>} : memref<128x128xbf16, #tpu.memory_space<vmem>>, vector<32xbf16>,
          %get3A_266 = arith.index_cast %scan3A_250 : i32 to index
          %get3A_267 = arith.constant 32 : index
          %get3A_268 = tpu.vector_load %arg11[%get3A_266, %get3A_267] {strides = array<i32>} : memref<128x128xbf16, #tpu.memory_space<vmem>>, vector<32xbf16>,
          %sub3A_269 = arith.subf %get3A_265, %get3A_268 : vector<32xbf16>
          %max3A_270 = arith.constant 0.000000e+00 : bf16
          %max3A_271 = vector.broadcast %max3A_270 : bf16 to vector<32xbf16>
          %max3A_272 = arith.maximumf %sub3A_269, %max3A_271 : vector<32xbf16>
          %swap3A_273 = arith.index_cast %scan3A_250 : i32 to index
          %swap3A_274 = arith.constant 32 : index
          %swap3A_275 = tpu.vector_load %arg10[%swap3A_273, %swap3A_274] {strides = array<i32>} : memref<128x128xbf16, #tpu.memory_space<vmem>>, vector<32xbf16>,
          tpu.vector_store %arg10[%swap3A_273, %swap3A_274], %max3A_272 {strides = array<i32>} : memref<128x128xbf16, #tpu.memory_space<vmem>>, vector<32xbf16>,
          %get3A_276 = arith.index_cast %scan3A_250 : i32 to index
          %get3A_277 = arith.constant 64 : index
          %get3A_278 = tpu.vector_load %arg10[%get3A_276, %get3A_277] {strides = array<i32>} : memref<128x128xbf16, #tpu.memory_space<vmem>>, vector<32xbf16>,
          %get3A_279 = arith.index_cast %scan3A_250 : i32 to index
          %get3A_280 = arith.constant 64 : index
          %get3A_281 = tpu.vector_load %arg11[%get3A_279, %get3A_280] {strides = array<i32>} : memref<128x128xbf16, #tpu.memory_space<vmem>>, vector<32xbf16>,
          %sub3A_282 = arith.subf %get3A_278, %get3A_281 : vector<32xbf16>
          %max3A_283 = arith.constant 0.000000e+00 : bf16
          %max3A_284 = vector.broadcast %max3A_283 : bf16 to vector<32xbf16>
          %max3A_285 = arith.maximumf %sub3A_282, %max3A_284 : vector<32xbf16>
          %swap3A_286 = arith.index_cast %scan3A_250 : i32 to index
          %swap3A_287 = arith.constant 64 : index
          %swap3A_288 = tpu.vector_load %arg10[%swap3A_286, %swap3A_287] {strides = array<i32>} : memref<128x128xbf16, #tpu.memory_space<vmem>>, vector<32xbf16>,
          tpu.vector_store %arg10[%swap3A_286, %swap3A_287], %max3A_285 {strides = array<i32>} : memref<128x128xbf16, #tpu.memory_space<vmem>>, vector<32xbf16>,
          %get3A_289 = arith.index_cast %scan3A_250 : i32 to index
          %get3A_290 = arith.constant 96 : index
          %get3A_291 = tpu.vector_load %arg10[%get3A_289, %get3A_290] {strides = array<i32>} : memref<128x128xbf16, #tpu.memory_space<vmem>>, vector<32xbf16>,
          %get3A_292 = arith.index_cast %scan3A_250 : i32 to index
          %get3A_293 = arith.constant 96 : index
          %get3A_294 = tpu.vector_load %arg11[%get3A_292, %get3A_293] {strides = array<i32>} : memref<128x128xbf16, #tpu.memory_space<vmem>>, vector<32xbf16>,
          %sub3A_295 = arith.subf %get3A_291, %get3A_294 : vector<32xbf16>
          %max3A_296 = arith.constant 0.000000e+00 : bf16
          %max3A_297 = vector.broadcast %max3A_296 : bf16 to vector<32xbf16>
          %max3A_298 = arith.maximumf %sub3A_295, %max3A_297 : vector<32xbf16>
          %swap3A_299 = arith.index_cast %scan3A_250 : i32 to index
          %swap3A_300 = arith.constant 96 : index
          %swap3A_301 = tpu.vector_load %arg10[%swap3A_299, %swap3A_300] {strides = array<i32>} : memref<128x128xbf16, #tpu.memory_space<vmem>>, vector<32xbf16>,
          tpu.vector_store %arg10[%swap3A_299, %swap3A_300], %max3A_298 {strides = array<i32>} : memref<128x128xbf16, #tpu.memory_space<vmem>>, vector<32xbf16>,
        }
        %scan3A_188 = arith.constant 128 : i32
        %dma_start3A_189 = arith.constant 0 : i32
        %dma_start3A_190 = tpu.memref_slice %arg8[%mul3A_131, %dma_start3A_189] : memref<8x128xi32, #tpu.memory_space<vmem>> -> memref<1x128xi32, #tpu.memory_space<vmem>>
        %dma_start3A_191 = tpu.memref_squeeze %dma_start3A_190 : memref<1x128xi32, #tpu.memory_space<vmem>> -> memref<128xi32, #tpu.memory_space<vmem>>
        %dma_start3A_192 = arith.constant 0 : i32
        %dma_start3A_193 = arith.constant 0 : i32
        %dma_start3A_194 = tpu.memref_slice %arg15[%dma_start3A_192, %dma_start3A_193] : memref<10240x128xbf16, #tpu.memory_space<vmem_shared>> -> memref<10240x128xbf16, #tpu.memory_space<vmem_shared>>
        tpu.enqueue_indirect_dma source(%arg10 : memref<128x128xbf16, #tpu.memory_space<vmem>>) target(%dma_start3A_194 : memref<10240x128xbf16, #tpu.memory_space<vmem_shared>>) offsets(%dma_start3A_191 : memref<128xi32, #tpu.memory_space<vmem>>) semaphore(%arg20 : memref<!tpu.dma_semaphore, #tpu.memory_space<semaphore_mem>>) {add = true}
        %add3A_195 = arith.constant 2 : i32
        %add3A_196 = arith.addi %mul3A_131, %add3A_195 : i32
        %lt3A = arith.cmpi slt, %add3A_196, %min3A_70 : i32
        %convert_element_type3A_197 = arith.extui %lt3A : i1 to i32
        %cond3A_198 = arith.constant 0 : i32
        %cond3A_199 = arith.cmpi ne, %convert_element_type3A_197, %cond3A_198 : i32
        scf.if %cond3A_199 {
          %dma_wait3A_250 = arith.constant 0 : i32
          %dma_wait3A_251 = arith.constant 0 : i32
          %dma_wait3A_252 = tpu.memref_slice %arg15[%dma_wait3A_250, %dma_wait3A_251] : memref<10240x128xbf16, #tpu.memory_space<vmem_shared>> -> memref<128x128xbf16, #tpu.memory_space<vmem_shared>>
          %dma_wait3A_253 = arith.constant 0 : i32
          %dma_wait3A_254 = arith.constant 0 : i32
          %dma_wait3A_255 = tpu.memref_slice %arg15[%dma_wait3A_253, %dma_wait3A_254] : memref<10240x128xbf16, #tpu.memory_space<vmem_shared>> -> memref<128x128xbf16, #tpu.memory_space<vmem_shared>>
          tpu.wait_dma2 semaphore(%arg20 : memref<!tpu.dma_semaphore, #tpu.memory_space<semaphore_mem>>) src(%arg10 : memref<128x128xbf16, #tpu.memory_space<vmem>>) dst(%dma_wait3A_255 : memref<128x128xbf16, #tpu.memory_space<vmem_shared>>)
          %add3A_256 = arith.constant 2 : i32
          %add3A_257 = arith.addi %mul3A_131, %add3A_256 : i32
          %dma_start3A_258 = arith.constant 0 : i32
          %dma_start3A_259 = tpu.memref_slice %arg8[%add3A_257, %dma_start3A_258] : memref<8x128xi32, #tpu.memory_space<vmem>> -> memref<1x128xi32, #tpu.memory_space<vmem>>
          %dma_start3A_260 = tpu.memref_squeeze %dma_start3A_259 : memref<1x128xi32, #tpu.memory_space<vmem>> -> memref<128xi32, #tpu.memory_space<vmem>>
          %dma_start3A_261 = arith.constant 0 : i32
          %dma_start3A_262 = arith.constant 0 : i32
          %dma_start3A_263 = tpu.memref_slice %arg2[%dma_start3A_261, %dma_start3A_262] : memref<10000x128xbf16, #tpu.memory_space<hbm>> -> memref<10000x128xbf16, #tpu.memory_space<hbm>>
          tpu.enqueue_indirect_dma source(%dma_start3A_263 : memref<10000x128xbf16, #tpu.memory_space<hbm>>) target(%arg10 : memref<128x128xbf16, #tpu.memory_space<vmem>>) offsets(%dma_start3A_260 : memref<128xi32, #tpu.memory_space<vmem>>) semaphore(%arg16 : memref<!tpu.dma_semaphore, #tpu.memory_space<semaphore_mem>>)
          %dma_start3A_264 = arith.constant 0 : i32
          %dma_start3A_265 = tpu.memref_slice %arg9[%add3A_257, %dma_start3A_264] : memref<8x128xi32, #tpu.memory_space<vmem>> -> memref<1x128xi32, #tpu.memory_space<vmem>>
          %dma_start3A_266 = tpu.memref_squeeze %dma_start3A_265 : memref<1x128xi32, #tpu.memory_space<vmem>> -> memref<128xi32, #tpu.memory_space<vmem>>
          %dma_start3A_267 = arith.constant 0 : i32
          %dma_start3A_268 = arith.constant 0 : i32
          %dma_start3A_269 = tpu.memref_slice %arg3[%dma_start3A_267, %dma_start3A_268] : memref<10000x128xbf16, #tpu.memory_space<hbm>> -> memref<10000x128xbf16, #tpu.memory_space<hbm>>
          tpu.enqueue_indirect_dma source(%dma_start3A_269 : memref<10000x128xbf16, #tpu.memory_space<hbm>>) target(%arg11 : memref<128x128xbf16, #tpu.memory_space<vmem>>) offsets(%dma_start3A_266 : memref<128xi32, #tpu.memory_space<vmem>>) semaphore(%arg17 : memref<!tpu.dma_semaphore, #tpu.memory_space<semaphore_mem>>)
        } else {
        }
        %add3A_200 = arith.constant 1 : i32
        %add3A_201 = arith.addi %mul3A_131, %add3A_200 : i32
        %get3A_202 = arith.index_cast %add3A_201 : i32 to index
        %get3A_203 = arith.constant 0 : index
        %get3A_204 = tpu.vector_load %arg8[%get3A_202, %get3A_203] {strides = array<i32>} : memref<8x128xi32, #tpu.memory_space<vmem>>, vector<16xi32>,
        tpu.vector_store_idx %arg14[%get3A_204], %broadcast_in_dim3A_29 {add = true} : memref<10240xf32, #tpu.memory_space<vmem>>[vector<16xi32>], vector<16xf32>,
        %get3A_205 = arith.index_cast %add3A_201 : i32 to index
        %get3A_206 = arith.constant 16 : index
        %get3A_207 = tpu.vector_load %arg8[%get3A_205, %get3A_206] {strides = array<i32>} : memref<8x128xi32, #tpu.memory_space<vmem>>, vector<16xi32>,
        tpu.vector_store_idx %arg14[%get3A_207], %broadcast_in_dim3A_29 {add = true} : memref<10240xf32, #tpu.memory_space<vmem>>[vector<16xi32>], vector<16xf32>,
        %get3A_208 = arith.index_cast %add3A_201 : i32 to index
        %get3A_209 = arith.constant 32 : index
        %get3A_210 = tpu.vector_load %arg8[%get3A_208, %get3A_209] {strides = array<i32>} : memref<8x128xi32, #tpu.memory_space<vmem>>, vector<16xi32>,
        tpu.vector_store_idx %arg14[%get3A_210], %broadcast_in_dim3A_29 {add = true} : memref<10240xf32, #tpu.memory_space<vmem>>[vector<16xi32>], vector<16xf32>,
        %get3A_211 = arith.index_cast %add3A_201 : i32 to index
        %get3A_212 = arith.constant 48 : index
        %get3A_213 = tpu.vector_load %arg8[%get3A_211, %get3A_212] {strides = array<i32>} : memref<8x128xi32, #tpu.memory_space<vmem>>, vector<16xi32>,
        tpu.vector_store_idx %arg14[%get3A_213], %broadcast_in_dim3A_29 {add = true} : memref<10240xf32, #tpu.memory_space<vmem>>[vector<16xi32>], vector<16xf32>,
        %get3A_214 = arith.index_cast %add3A_201 : i32 to index
        %get3A_215 = arith.constant 64 : index
        %get3A_216 = tpu.vector_load %arg8[%get3A_214, %get3A_215] {strides = array<i32>} : memref<8x128xi32, #tpu.memory_space<vmem>>, vector<16xi32>,
        tpu.vector_store_idx %arg14[%get3A_216], %broadcast_in_dim3A_29 {add = true} : memref<10240xf32, #tpu.memory_space<vmem>>[vector<16xi32>], vector<16xf32>,
        %get3A_217 = arith.index_cast %add3A_201 : i32 to index
        %get3A_218 = arith.constant 80 : index
        %get3A_219 = tpu.vector_load %arg8[%get3A_217, %get3A_218] {strides = array<i32>} : memref<8x128xi32, #tpu.memory_space<vmem>>, vector<16xi32>,
        tpu.vector_store_idx %arg14[%get3A_219], %broadcast_in_dim3A_29 {add = true} : memref<10240xf32, #tpu.memory_space<vmem>>[vector<16xi32>], vector<16xf32>,
        %get3A_220 = arith.index_cast %add3A_201 : i32 to index
        %get3A_221 = arith.constant 96 : index
        %get3A_222 = tpu.vector_load %arg8[%get3A_220, %get3A_221] {strides = array<i32>} : memref<8x128xi32, #tpu.memory_space<vmem>>, vector<16xi32>,
        tpu.vector_store_idx %arg14[%get3A_222], %broadcast_in_dim3A_29 {add = true} : memref<10240xf32, #tpu.memory_space<vmem>>[vector<16xi32>], vector<16xf32>,
        %get3A_223 = arith.index_cast %add3A_201 : i32 to index
        %get3A_224 = arith.constant 112 : index
        %get3A_225 = tpu.vector_load %arg8[%get3A_223, %get3A_224] {strides = array<i32>} : memref<8x128xi32, #tpu.memory_space<vmem>>, vector<16xi32>,
        tpu.vector_store_idx %arg14[%get3A_225], %broadcast_in_dim3A_29 {add = true} : memref<10240xf32, #tpu.memory_space<vmem>>[vector<16xi32>], vector<16xf32>,
        %dma_wait3A_226 = arith.constant 0 : i32
        %dma_wait3A_227 = arith.constant 0 : i32
        %dma_wait3A_228 = tpu.memref_slice %arg2[%dma_wait3A_226, %dma_wait3A_227] : memref<10000x128xbf16, #tpu.memory_space<hbm>> -> memref<128x128xbf16, #tpu.memory_space<hbm>>
        %dma_wait3A_229 = arith.constant 0 : i32
        %dma_wait3A_230 = arith.constant 0 : i32
        %dma_wait3A_231 = tpu.memref_slice %arg2[%dma_wait3A_229, %dma_wait3A_230] : memref<10000x128xbf16, #tpu.memory_space<hbm>> -> memref<128x128xbf16, #tpu.memory_space<hbm>>
        tpu.wait_dma2 semaphore(%arg18 : memref<!tpu.dma_semaphore, #tpu.memory_space<semaphore_mem>>) src(%dma_wait3A_231 : memref<128x128xbf16, #tpu.memory_space<hbm>>) dst(%arg12 : memref<128x128xbf16, #tpu.memory_space<vmem>>)
        %dma_wait3A_232 = arith.constant 0 : i32
        %dma_wait3A_233 = arith.constant 0 : i32
        %dma_wait3A_234 = tpu.memref_slice %arg3[%dma_wait3A_232, %dma_wait3A_233] : memref<10000x128xbf16, #tpu.memory_space<hbm>> -> memref<128x128xbf16, #tpu.memory_space<hbm>>
        %dma_wait3A_235 = arith.constant 0 : i32
        %dma_wait3A_236 = arith.constant 0 : i32
        %dma_wait3A_237 = tpu.memref_slice %arg3[%dma_wait3A_235, %dma_wait3A_236] : memref<10000x128xbf16, #tpu.memory_space<hbm>> -> memref<128x128xbf16, #tpu.memory_space<hbm>>
        tpu.wait_dma2 semaphore(%arg19 : memref<!tpu.dma_semaphore, #tpu.memory_space<semaphore_mem>>) src(%dma_wait3A_237 : memref<128x128xbf16, #tpu.memory_space<hbm>>) dst(%arg13 : memref<128x128xbf16, #tpu.memory_space<vmem>>)
        %scan3A_238 = arith.constant 0 : i32
        %scan3A_239 = arith.constant 0 : i32
        %scan3A_240 = arith.constant 128 : i32
        %scan3A_241 = arith.addi %scan3A_239, %scan3A_240 : i32
        %scan3A_242 = arith.constant 1 : i32
        scf.for %scan3A_250 = %scan3A_239 to %scan3A_241 step %scan3A_242  : i32 {
          %get3A_251 = arith.index_cast %scan3A_250 : i32 to index
          %get3A_252 = arith.constant 0 : index
          %get3A_253 = tpu.vector_load %arg12[%get3A_251, %get3A_252] {strides = array<i32>} : memref<128x128xbf16, #tpu.memory_space<vmem>>, vector<32xbf16>,
          %get3A_254 = arith.index_cast %scan3A_250 : i32 to index
          %get3A_255 = arith.constant 0 : index
          %get3A_256 = tpu.vector_load %arg13[%get3A_254, %get3A_255] {strides = array<i32>} : memref<128x128xbf16, #tpu.memory_space<vmem>>, vector<32xbf16>,
          %sub3A_257 = arith.subf %get3A_253, %get3A_256 : vector<32xbf16>
          %max3A_258 = arith.constant 0.000000e+00 : bf16
          %max3A_259 = vector.broadcast %max3A_258 : bf16 to vector<32xbf16>
          %max3A_260 = arith.maximumf %sub3A_257, %max3A_259 : vector<32xbf16>
          %swap3A = arith.index_cast %scan3A_250 : i32 to index
          %swap3A_261 = arith.constant 0 : index
          %swap3A_262 = tpu.vector_load %arg12[%swap3A, %swap3A_261] {strides = array<i32>} : memref<128x128xbf16, #tpu.memory_space<vmem>>, vector<32xbf16>,
          tpu.vector_store %arg12[%swap3A, %swap3A_261], %max3A_260 {strides = array<i32>} : memref<128x128xbf16, #tpu.memory_space<vmem>>, vector<32xbf16>,
          %get3A_263 = arith.index_cast %scan3A_250 : i32 to index
          %get3A_264 = arith.constant 32 : index
          %get3A_265 = tpu.vector_load %arg12[%get3A_263, %get3A_264] {strides = array<i32>} : memref<128x128xbf16, #tpu.memory_space<vmem>>, vector<32xbf16>,
          %get3A_266 = arith.index_cast %scan3A_250 : i32 to index
          %get3A_267 = arith.constant 32 : index
          %get3A_268 = tpu.vector_load %arg13[%get3A_266, %get3A_267] {strides = array<i32>} : memref<128x128xbf16, #tpu.memory_space<vmem>>, vector<32xbf16>,
          %sub3A_269 = arith.subf %get3A_265, %get3A_268 : vector<32xbf16>
          %max3A_270 = arith.constant 0.000000e+00 : bf16
          %max3A_271 = vector.broadcast %max3A_270 : bf16 to vector<32xbf16>
          %max3A_272 = arith.maximumf %sub3A_269, %max3A_271 : vector<32xbf16>
          %swap3A_273 = arith.index_cast %scan3A_250 : i32 to index
          %swap3A_274 = arith.constant 32 : index
          %swap3A_275 = tpu.vector_load %arg12[%swap3A_273, %swap3A_274] {strides = array<i32>} : memref<128x128xbf16, #tpu.memory_space<vmem>>, vector<32xbf16>,
          tpu.vector_store %arg12[%swap3A_273, %swap3A_274], %max3A_272 {strides = array<i32>} : memref<128x128xbf16, #tpu.memory_space<vmem>>, vector<32xbf16>,
          %get3A_276 = arith.index_cast %scan3A_250 : i32 to index
          %get3A_277 = arith.constant 64 : index
          %get3A_278 = tpu.vector_load %arg12[%get3A_276, %get3A_277] {strides = array<i32>} : memref<128x128xbf16, #tpu.memory_space<vmem>>, vector<32xbf16>,
          %get3A_279 = arith.index_cast %scan3A_250 : i32 to index
          %get3A_280 = arith.constant 64 : index
          %get3A_281 = tpu.vector_load %arg13[%get3A_279, %get3A_280] {strides = array<i32>} : memref<128x128xbf16, #tpu.memory_space<vmem>>, vector<32xbf16>,
          %sub3A_282 = arith.subf %get3A_278, %get3A_281 : vector<32xbf16>
          %max3A_283 = arith.constant 0.000000e+00 : bf16
          %max3A_284 = vector.broadcast %max3A_283 : bf16 to vector<32xbf16>
          %max3A_285 = arith.maximumf %sub3A_282, %max3A_284 : vector<32xbf16>
          %swap3A_286 = arith.index_cast %scan3A_250 : i32 to index
          %swap3A_287 = arith.constant 64 : index
          %swap3A_288 = tpu.vector_load %arg12[%swap3A_286, %swap3A_287] {strides = array<i32>} : memref<128x128xbf16, #tpu.memory_space<vmem>>, vector<32xbf16>,
          tpu.vector_store %arg12[%swap3A_286, %swap3A_287], %max3A_285 {strides = array<i32>} : memref<128x128xbf16, #tpu.memory_space<vmem>>, vector<32xbf16>,
          %get3A_289 = arith.index_cast %scan3A_250 : i32 to index
          %get3A_290 = arith.constant 96 : index
          %get3A_291 = tpu.vector_load %arg12[%get3A_289, %get3A_290] {strides = array<i32>} : memref<128x128xbf16, #tpu.memory_space<vmem>>, vector<32xbf16>,
          %get3A_292 = arith.index_cast %scan3A_250 : i32 to index
          %get3A_293 = arith.constant 96 : index
          %get3A_294 = tpu.vector_load %arg13[%get3A_292, %get3A_293] {strides = array<i32>} : memref<128x128xbf16, #tpu.memory_space<vmem>>, vector<32xbf16>,
          %sub3A_295 = arith.subf %get3A_291, %get3A_294 : vector<32xbf16>
          %max3A_296 = arith.constant 0.000000e+00 : bf16
          %max3A_297 = vector.broadcast %max3A_296 : bf16 to vector<32xbf16>
          %max3A_298 = arith.maximumf %sub3A_295, %max3A_297 : vector<32xbf16>
          %swap3A_299 = arith.index_cast %scan3A_250 : i32 to index
          %swap3A_300 = arith.constant 96 : index
          %swap3A_301 = tpu.vector_load %arg12[%swap3A_299, %swap3A_300] {strides = array<i32>} : memref<128x128xbf16, #tpu.memory_space<vmem>>, vector<32xbf16>,
          tpu.vector_store %arg12[%swap3A_299, %swap3A_300], %max3A_298 {strides = array<i32>} : memref<128x128xbf16, #tpu.memory_space<vmem>>, vector<32xbf16>,
        }
        %scan3A_243 = arith.constant 128 : i32
        %dma_start3A_244 = arith.constant 0 : i32
        %dma_start3A_245 = tpu.memref_slice %arg8[%add3A_201, %dma_start3A_244] : memref<8x128xi32, #tpu.memory_space<vmem>> -> memref<1x128xi32, #tpu.memory_space<vmem>>
        %dma_start3A_246 = tpu.memref_squeeze %dma_start3A_245 : memref<1x128xi32, #tpu.memory_space<vmem>> -> memref<128xi32, #tpu.memory_space<vmem>>
        %dma_start3A_247 = arith.constant 0 : i32
        %dma_start3A_248 = arith.constant 0 : i32
        %dma_start3A_249 = tpu.memref_slice %arg15[%dma_start3A_247, %dma_start3A_248] : memref<10240x128xbf16, #tpu.memory_space<vmem_shared>> -> memref<10240x128xbf16, #tpu.memory_space<vmem_shared>>
        tpu.enqueue_indirect_dma source(%arg12 : memref<128x128xbf16, #tpu.memory_space<vmem>>) target(%dma_start3A_249 : memref<10240x128xbf16, #tpu.memory_space<vmem_shared>>) offsets(%dma_start3A_246 : memref<128xi32, #tpu.memory_space<vmem>>) semaphore(%arg21 : memref<!tpu.dma_semaphore, #tpu.memory_space<semaphore_mem>>) {add = true}
      }
      %while3A_117 = arith.constant 1 : i32
      scf.for %while3A_129 = %while3A_115 to %while3A_111 step %while3A_117  : i32 {
        %mul3A_130 = arith.constant 2 : i32
        %mul3A_131 = arith.muli %mul3A_130, %while3A_129 : i32
        %gt3A = arith.constant 0 : i32
        %gt3A_132 = arith.cmpi sgt, %while3A_129, %gt3A : i32
        %convert_element_type3A = arith.extui %gt3A_132 : i1 to i32
        %cond3A = arith.constant 0 : i32
        %cond3A_133 = arith.cmpi ne, %convert_element_type3A, %cond3A : i32
        scf.if %cond3A_133 {
          %dma_wait3A_250 = arith.constant 0 : i32
          %dma_wait3A_251 = arith.constant 0 : i32
          %dma_wait3A_252 = tpu.memref_slice %arg15[%dma_wait3A_250, %dma_wait3A_251] : memref<10240x128xbf16, #tpu.memory_space<vmem_shared>> -> memref<128x128xbf16, #tpu.memory_space<vmem_shared>>
          %dma_wait3A_253 = arith.constant 0 : i32
          %dma_wait3A_254 = arith.constant 0 : i32
          %dma_wait3A_255 = tpu.memref_slice %arg15[%dma_wait3A_253, %dma_wait3A_254] : memref<10240x128xbf16, #tpu.memory_space<vmem_shared>> -> memref<128x128xbf16, #tpu.memory_space<vmem_shared>>
          tpu.wait_dma2 semaphore(%arg21 : memref<!tpu.dma_semaphore, #tpu.memory_space<semaphore_mem>>) src(%arg12 : memref<128x128xbf16, #tpu.memory_space<vmem>>) dst(%dma_wait3A_255 : memref<128x128xbf16, #tpu.memory_space<vmem_shared>>)
        } else {
        }
        %add3A_134 = arith.constant 1 : i32
        %add3A_135 = arith.addi %mul3A_131, %add3A_134 : i32
        %dma_start3A_136 = arith.constant 0 : i32
        %dma_start3A_137 = tpu.memref_slice %arg8[%add3A_135, %dma_start3A_136] : memref<8x128xi32, #tpu.memory_space<vmem>> -> memref<1x128xi32, #tpu.memory_space<vmem>>
        %dma_start3A_138 = tpu.memref_squeeze %dma_start3A_137 : memref<1x128xi32, #tpu.memory_space<vmem>> -> memref<128xi32, #tpu.memory_space<vmem>>
        %dma_start3A_139 = arith.constant 0 : i32
        %dma_start3A_140 = arith.constant 0 : i32
        %dma_start3A_141 = tpu.memref_slice %arg2[%dma_start3A_139, %dma_start3A_140] : memref<10000x128xbf16, #tpu.memory_space<hbm>> -> memref<10000x128xbf16, #tpu.memory_space<hbm>>
        tpu.enqueue_indirect_dma source(%dma_start3A_141 : memref<10000x128xbf16, #tpu.memory_space<hbm>>) target(%arg12 : memref<128x128xbf16, #tpu.memory_space<vmem>>) offsets(%dma_start3A_138 : memref<128xi32, #tpu.memory_space<vmem>>) semaphore(%arg18 : memref<!tpu.dma_semaphore, #tpu.memory_space<semaphore_mem>>)
        %dma_start3A_142 = arith.constant 0 : i32
        %dma_start3A_143 = tpu.memref_slice %arg9[%add3A_135, %dma_start3A_142] : memref<8x128xi32, #tpu.memory_space<vmem>> -> memref<1x128xi32, #tpu.memory_space<vmem>>
        %dma_start3A_144 = tpu.memref_squeeze %dma_start3A_143 : memref<1x128xi32, #tpu.memory_space<vmem>> -> memref<128xi32, #tpu.memory_space<vmem>>
        %dma_start3A_145 = arith.constant 0 : i32
        %dma_start3A_146 = arith.constant 0 : i32
        %dma_start3A_147 = tpu.memref_slice %arg3[%dma_start3A_145, %dma_start3A_146] : memref<10000x128xbf16, #tpu.memory_space<hbm>> -> memref<10000x128xbf16, #tpu.memory_space<hbm>>
        tpu.enqueue_indirect_dma source(%dma_start3A_147 : memref<10000x128xbf16, #tpu.memory_space<hbm>>) target(%arg13 : memref<128x128xbf16, #tpu.memory_space<vmem>>) offsets(%dma_start3A_144 : memref<128xi32, #tpu.memory_space<vmem>>) semaphore(%arg19 : memref<!tpu.dma_semaphore, #tpu.memory_space<semaphore_mem>>)
        %get3A = arith.index_cast %mul3A_131 : i32 to index
        %get3A_148 = arith.constant 0 : index
        %get3A_149 = tpu.vector_load %arg8[%get3A, %get3A_148] {strides = array<i32>} : memref<8x128xi32, #tpu.memory_space<vmem>>, vector<16xi32>,
        tpu.vector_store_idx %arg14[%get3A_149], %broadcast_in_dim3A_29 {add = true} : memref<10240xf32, #tpu.memory_space<vmem>>[vector<16xi32>], vector<16xf32>,
        %get3A_150 = arith.index_cast %mul3A_131 : i32 to index
        %get3A_151 = arith.constant 16 : index
        %get3A_152 = tpu.vector_load %arg8[%get3A_150, %get3A_151] {strides = array<i32>} : memref<8x128xi32, #tpu.memory_space<vmem>>, vector<16xi32>,
        tpu.vector_store_idx %arg14[%get3A_152], %broadcast_in_dim3A_29 {add = true} : memref<10240xf32, #tpu.memory_space<vmem>>[vector<16xi32>], vector<16xf32>,
        %get3A_153 = arith.index_cast %mul3A_131 : i32 to index
        %get3A_154 = arith.constant 32 : index
        %get3A_155 = tpu.vector_load %arg8[%get3A_153, %get3A_154] {strides = array<i32>} : memref<8x128xi32, #tpu.memory_space<vmem>>, vector<16xi32>,
        tpu.vector_store_idx %arg14[%get3A_155], %broadcast_in_dim3A_29 {add = true} : memref<10240xf32, #tpu.memory_space<vmem>>[vector<16xi32>], vector<16xf32>,
        %get3A_156 = arith.index_cast %mul3A_131 : i32 to index
        %get3A_157 = arith.constant 48 : index
        %get3A_158 = tpu.vector_load %arg8[%get3A_156, %get3A_157] {strides = array<i32>} : memref<8x128xi32, #tpu.memory_space<vmem>>, vector<16xi32>,
        tpu.vector_store_idx %arg14[%get3A_158], %broadcast_in_dim3A_29 {add = true} : memref<10240xf32, #tpu.memory_space<vmem>>[vector<16xi32>], vector<16xf32>,
        %get3A_159 = arith.index_cast %mul3A_131 : i32 to index
        %get3A_160 = arith.constant 64 : index
        %get3A_161 = tpu.vector_load %arg8[%get3A_159, %get3A_160] {strides = array<i32>} : memref<8x128xi32, #tpu.memory_space<vmem>>, vector<16xi32>,
        tpu.vector_store_idx %arg14[%get3A_161], %broadcast_in_dim3A_29 {add = true} : memref<10240xf32, #tpu.memory_space<vmem>>[vector<16xi32>], vector<16xf32>,
        %get3A_162 = arith.index_cast %mul3A_131 : i32 to index
        %get3A_163 = arith.constant 80 : index
        %get3A_164 = tpu.vector_load %arg8[%get3A_162, %get3A_163] {strides = array<i32>} : memref<8x128xi32, #tpu.memory_space<vmem>>, vector<16xi32>,
        tpu.vector_store_idx %arg14[%get3A_164], %broadcast_in_dim3A_29 {add = true} : memref<10240xf32, #tpu.memory_space<vmem>>[vector<16xi32>], vector<16xf32>,
        %get3A_165 = arith.index_cast %mul3A_131 : i32 to index
        %get3A_166 = arith.constant 96 : index
        %get3A_167 = tpu.vector_load %arg8[%get3A_165, %get3A_166] {strides = array<i32>} : memref<8x128xi32, #tpu.memory_space<vmem>>, vector<16xi32>,
        tpu.vector_store_idx %arg14[%get3A_167], %broadcast_in_dim3A_29 {add = true} : memref<10240xf32, #tpu.memory_space<vmem>>[vector<16xi32>], vector<16xf32>,
        %get3A_168 = arith.index_cast %mul3A_131 : i32 to index
        %get3A_169 = arith.constant 112 : index
        %get3A_170 = tpu.vector_load %arg8[%get3A_168, %get3A_169] {strides = array<i32>} : memref<8x128xi32, #tpu.memory_space<vmem>>, vector<16xi32>,
        tpu.vector_store_idx %arg14[%get3A_170], %broadcast_in_dim3A_29 {add = true} : memref<10240xf32, #tpu.memory_space<vmem>>[vector<16xi32>], vector<16xf32>,
        %dma_wait3A_171 = arith.constant 0 : i32
        %dma_wait3A_172 = arith.constant 0 : i32
        %dma_wait3A_173 = tpu.memref_slice %arg2[%dma_wait3A_171, %dma_wait3A_172] : memref<10000x128xbf16, #tpu.memory_space<hbm>> -> memref<128x128xbf16, #tpu.memory_space<hbm>>
        %dma_wait3A_174 = arith.constant 0 : i32
        %dma_wait3A_175 = arith.constant 0 : i32
        %dma_wait3A_176 = tpu.memref_slice %arg2[%dma_wait3A_174, %dma_wait3A_175] : memref<10000x128xbf16, #tpu.memory_space<hbm>> -> memref<128x128xbf16, #tpu.memory_space<hbm>>
        tpu.wait_dma2 semaphore(%arg16 : memref<!tpu.dma_semaphore, #tpu.memory_space<semaphore_mem>>) src(%dma_wait3A_176 : memref<128x128xbf16, #tpu.memory_space<hbm>>) dst(%arg10 : memref<128x128xbf16, #tpu.memory_space<vmem>>)
        %dma_wait3A_177 = arith.constant 0 : i32
        %dma_wait3A_178 = arith.constant 0 : i32
        %dma_wait3A_179 = tpu.memref_slice %arg3[%dma_wait3A_177, %dma_wait3A_178] : memref<10000x128xbf16, #tpu.memory_space<hbm>> -> memref<128x128xbf16, #tpu.memory_space<hbm>>
        %dma_wait3A_180 = arith.constant 0 : i32
        %dma_wait3A_181 = arith.constant 0 : i32
        %dma_wait3A_182 = tpu.memref_slice %arg3[%dma_wait3A_180, %dma_wait3A_181] : memref<10000x128xbf16, #tpu.memory_space<hbm>> -> memref<128x128xbf16, #tpu.memory_space<hbm>>
        tpu.wait_dma2 semaphore(%arg17 : memref<!tpu.dma_semaphore, #tpu.memory_space<semaphore_mem>>) src(%dma_wait3A_182 : memref<128x128xbf16, #tpu.memory_space<hbm>>) dst(%arg11 : memref<128x128xbf16, #tpu.memory_space<vmem>>)
        %scan3A_183 = arith.constant 0 : i32
        %scan3A_184 = arith.constant 0 : i32
        %scan3A_185 = arith.constant 128 : i32
        %scan3A_186 = arith.addi %scan3A_184, %scan3A_185 : i32
        %scan3A_187 = arith.constant 1 : i32
        scf.for %scan3A_250 = %scan3A_184 to %scan3A_186 step %scan3A_187  : i32 {
          %get3A_251 = arith.index_cast %scan3A_250 : i32 to index
          %get3A_252 = arith.constant 0 : index
          %get3A_253 = tpu.vector_load %arg10[%get3A_251, %get3A_252] {strides = array<i32>} : memref<128x128xbf16, #tpu.memory_space<vmem>>, vector<32xbf16>,
          %get3A_254 = arith.index_cast %scan3A_250 : i32 to index
          %get3A_255 = arith.constant 0 : index
          %get3A_256 = tpu.vector_load %arg11[%get3A_254, %get3A_255] {strides = array<i32>} : memref<128x128xbf16, #tpu.memory_space<vmem>>, vector<32xbf16>,
          %sub3A_257 = arith.subf %get3A_253, %get3A_256 : vector<32xbf16>
          %max3A_258 = arith.constant 0.000000e+00 : bf16
          %max3A_259 = vector.broadcast %max3A_258 : bf16 to vector<32xbf16>
          %max3A_260 = arith.maximumf %sub3A_257, %max3A_259 : vector<32xbf16>
          %swap3A = arith.index_cast %scan3A_250 : i32 to index
          %swap3A_261 = arith.constant 0 : index
          %swap3A_262 = tpu.vector_load %arg10[%swap3A, %swap3A_261] {strides = array<i32>} : memref<128x128xbf16, #tpu.memory_space<vmem>>, vector<32xbf16>,
          tpu.vector_store %arg10[%swap3A, %swap3A_261], %max3A_260 {strides = array<i32>} : memref<128x128xbf16, #tpu.memory_space<vmem>>, vector<32xbf16>,
          %get3A_263 = arith.index_cast %scan3A_250 : i32 to index
          %get3A_264 = arith.constant 32 : index
          %get3A_265 = tpu.vector_load %arg10[%get3A_263, %get3A_264] {strides = array<i32>} : memref<128x128xbf16, #tpu.memory_space<vmem>>, vector<32xbf16>,
          %get3A_266 = arith.index_cast %scan3A_250 : i32 to index
          %get3A_267 = arith.constant 32 : index
          %get3A_268 = tpu.vector_load %arg11[%get3A_266, %get3A_267] {strides = array<i32>} : memref<128x128xbf16, #tpu.memory_space<vmem>>, vector<32xbf16>,
          %sub3A_269 = arith.subf %get3A_265, %get3A_268 : vector<32xbf16>
          %max3A_270 = arith.constant 0.000000e+00 : bf16
          %max3A_271 = vector.broadcast %max3A_270 : bf16 to vector<32xbf16>
          %max3A_272 = arith.maximumf %sub3A_269, %max3A_271 : vector<32xbf16>
          %swap3A_273 = arith.index_cast %scan3A_250 : i32 to index
          %swap3A_274 = arith.constant 32 : index
          %swap3A_275 = tpu.vector_load %arg10[%swap3A_273, %swap3A_274] {strides = array<i32>} : memref<128x128xbf16, #tpu.memory_space<vmem>>, vector<32xbf16>,
          tpu.vector_store %arg10[%swap3A_273, %swap3A_274], %max3A_272 {strides = array<i32>} : memref<128x128xbf16, #tpu.memory_space<vmem>>, vector<32xbf16>,
          %get3A_276 = arith.index_cast %scan3A_250 : i32 to index
          %get3A_277 = arith.constant 64 : index
          %get3A_278 = tpu.vector_load %arg10[%get3A_276, %get3A_277] {strides = array<i32>} : memref<128x128xbf16, #tpu.memory_space<vmem>>, vector<32xbf16>,
          %get3A_279 = arith.index_cast %scan3A_250 : i32 to index
          %get3A_280 = arith.constant 64 : index
          %get3A_281 = tpu.vector_load %arg11[%get3A_279, %get3A_280] {strides = array<i32>} : memref<128x128xbf16, #tpu.memory_space<vmem>>, vector<32xbf16>,
          %sub3A_282 = arith.subf %get3A_278, %get3A_281 : vector<32xbf16>
          %max3A_283 = arith.constant 0.000000e+00 : bf16
          %max3A_284 = vector.broadcast %max3A_283 : bf16 to vector<32xbf16>
          %max3A_285 = arith.maximumf %sub3A_282, %max3A_284 : vector<32xbf16>
          %swap3A_286 = arith.index_cast %scan3A_250 : i32 to index
          %swap3A_287 = arith.constant 64 : index
          %swap3A_288 = tpu.vector_load %arg10[%swap3A_286, %swap3A_287] {strides = array<i32>} : memref<128x128xbf16, #tpu.memory_space<vmem>>, vector<32xbf16>,
          tpu.vector_store %arg10[%swap3A_286, %swap3A_287], %max3A_285 {strides = array<i32>} : memref<128x128xbf16, #tpu.memory_space<vmem>>, vector<32xbf16>,
          %get3A_289 = arith.index_cast %scan3A_250 : i32 to index
          %get3A_290 = arith.constant 96 : index
          %get3A_291 = tpu.vector_load %arg10[%get3A_289, %get3A_290] {strides = array<i32>} : memref<128x128xbf16, #tpu.memory_space<vmem>>, vector<32xbf16>,
          %get3A_292 = arith.index_cast %scan3A_250 : i32 to index
          %get3A_293 = arith.constant 96 : index
          %get3A_294 = tpu.vector_load %arg11[%get3A_292, %get3A_293] {strides = array<i32>} : memref<128x128xbf16, #tpu.memory_space<vmem>>, vector<32xbf16>,
          %sub3A_295 = arith.subf %get3A_291, %get3A_294 : vector<32xbf16>
          %max3A_296 = arith.constant 0.000000e+00 : bf16
          %max3A_297 = vector.broadcast %max3A_296 : bf16 to vector<32xbf16>
          %max3A_298 = arith.maximumf %sub3A_295, %max3A_297 : vector<32xbf16>
          %swap3A_299 = arith.index_cast %scan3A_250 : i32 to index
          %swap3A_300 = arith.constant 96 : index
          %swap3A_301 = tpu.vector_load %arg10[%swap3A_299, %swap3A_300] {strides = array<i32>} : memref<128x128xbf16, #tpu.memory_space<vmem>>, vector<32xbf16>,
          tpu.vector_store %arg10[%swap3A_299, %swap3A_300], %max3A_298 {strides = array<i32>} : memref<128x128xbf16, #tpu.memory_space<vmem>>, vector<32xbf16>,
        }
        %scan3A_188 = arith.constant 128 : i32
        %dma_start3A_189 = arith.constant 0 : i32
        %dma_start3A_190 = tpu.memref_slice %arg8[%mul3A_131, %dma_start3A_189] : memref<8x128xi32, #tpu.memory_space<vmem>> -> memref<1x128xi32, #tpu.memory_space<vmem>>
        %dma_start3A_191 = tpu.memref_squeeze %dma_start3A_190 : memref<1x128xi32, #tpu.memory_space<vmem>> -> memref<128xi32, #tpu.memory_space<vmem>>
        %dma_start3A_192 = arith.constant 0 : i32
        %dma_start3A_193 = arith.constant 0 : i32
        %dma_start3A_194 = tpu.memref_slice %arg15[%dma_start3A_192, %dma_start3A_193] : memref<10240x128xbf16, #tpu.memory_space<vmem_shared>> -> memref<10240x128xbf16, #tpu.memory_space<vmem_shared>>
        tpu.enqueue_indirect_dma source(%arg10 : memref<128x128xbf16, #tpu.memory_space<vmem>>) target(%dma_start3A_194 : memref<10240x128xbf16, #tpu.memory_space<vmem_shared>>) offsets(%dma_start3A_191 : memref<128xi32, #tpu.memory_space<vmem>>) semaphore(%arg20 : memref<!tpu.dma_semaphore, #tpu.memory_space<semaphore_mem>>) {add = true}
        %add3A_195 = arith.constant 2 : i32
        %add3A_196 = arith.addi %mul3A_131, %add3A_195 : i32
        %lt3A = arith.cmpi slt, %add3A_196, %min3A_70 : i32
        %convert_element_type3A_197 = arith.extui %lt3A : i1 to i32
        %cond3A_198 = arith.constant 0 : i32
        %cond3A_199 = arith.cmpi ne, %convert_element_type3A_197, %cond3A_198 : i32
        scf.if %cond3A_199 {
          %dma_wait3A_250 = arith.constant 0 : i32
          %dma_wait3A_251 = arith.constant 0 : i32
          %dma_wait3A_252 = tpu.memref_slice %arg15[%dma_wait3A_250, %dma_wait3A_251] : memref<10240x128xbf16, #tpu.memory_space<vmem_shared>> -> memref<128x128xbf16, #tpu.memory_space<vmem_shared>>
          %dma_wait3A_253 = arith.constant 0 : i32
          %dma_wait3A_254 = arith.constant 0 : i32
          %dma_wait3A_255 = tpu.memref_slice %arg15[%dma_wait3A_253, %dma_wait3A_254] : memref<10240x128xbf16, #tpu.memory_space<vmem_shared>> -> memref<128x128xbf16, #tpu.memory_space<vmem_shared>>
          tpu.wait_dma2 semaphore(%arg20 : memref<!tpu.dma_semaphore, #tpu.memory_space<semaphore_mem>>) src(%arg10 : memref<128x128xbf16, #tpu.memory_space<vmem>>) dst(%dma_wait3A_255 : memref<128x128xbf16, #tpu.memory_space<vmem_shared>>)
          %add3A_256 = arith.constant 2 : i32
          %add3A_257 = arith.addi %mul3A_131, %add3A_256 : i32
          %dma_start3A_258 = arith.constant 0 : i32
          %dma_start3A_259 = tpu.memref_slice %arg8[%add3A_257, %dma_start3A_258] : memref<8x128xi32, #tpu.memory_space<vmem>> -> memref<1x128xi32, #tpu.memory_space<vmem>>
          %dma_start3A_260 = tpu.memref_squeeze %dma_start3A_259 : memref<1x128xi32, #tpu.memory_space<vmem>> -> memref<128xi32, #tpu.memory_space<vmem>>
          %dma_start3A_261 = arith.constant 0 : i32
          %dma_start3A_262 = arith.constant 0 : i32
          %dma_start3A_263 = tpu.memref_slice %arg2[%dma_start3A_261, %dma_start3A_262] : memref<10000x128xbf16, #tpu.memory_space<hbm>> -> memref<10000x128xbf16, #tpu.memory_space<hbm>>
          tpu.enqueue_indirect_dma source(%dma_start3A_263 : memref<10000x128xbf16, #tpu.memory_space<hbm>>) target(%arg10 : memref<128x128xbf16, #tpu.memory_space<vmem>>) offsets(%dma_start3A_260 : memref<128xi32, #tpu.memory_space<vmem>>) semaphore(%arg16 : memref<!tpu.dma_semaphore, #tpu.memory_space<semaphore_mem>>)
          %dma_start3A_264 = arith.constant 0 : i32
          %dma_start3A_265 = tpu.memref_slice %arg9[%add3A_257, %dma_start3A_264] : memref<8x128xi32, #tpu.memory_space<vmem>> -> memref<1x128xi32, #tpu.memory_space<vmem>>
          %dma_start3A_266 = tpu.memref_squeeze %dma_start3A_265 : memref<1x128xi32, #tpu.memory_space<vmem>> -> memref<128xi32, #tpu.memory_space<vmem>>
          %dma_start3A_267 = arith.constant 0 : i32
          %dma_start3A_268 = arith.constant 0 : i32
          %dma_start3A_269 = tpu.memref_slice %arg3[%dma_start3A_267, %dma_start3A_268] : memref<10000x128xbf16, #tpu.memory_space<hbm>> -> memref<10000x128xbf16, #tpu.memory_space<hbm>>
          tpu.enqueue_indirect_dma source(%dma_start3A_269 : memref<10000x128xbf16, #tpu.memory_space<hbm>>) target(%arg11 : memref<128x128xbf16, #tpu.memory_space<vmem>>) offsets(%dma_start3A_266 : memref<128xi32, #tpu.memory_space<vmem>>) semaphore(%arg17 : memref<!tpu.dma_semaphore, #tpu.memory_space<semaphore_mem>>)
        } else {
        }
        %add3A_200 = arith.constant 1 : i32
        %add3A_201 = arith.addi %mul3A_131, %add3A_200 : i32
        %get3A_202 = arith.index_cast %add3A_201 : i32 to index
        %get3A_203 = arith.constant 0 : index
        %get3A_204 = tpu.vector_load %arg8[%get3A_202, %get3A_203] {strides = array<i32>} : memref<8x128xi32, #tpu.memory_space<vmem>>, vector<16xi32>,
        tpu.vector_store_idx %arg14[%get3A_204], %broadcast_in_dim3A_29 {add = true} : memref<10240xf32, #tpu.memory_space<vmem>>[vector<16xi32>], vector<16xf32>,
        %get3A_205 = arith.index_cast %add3A_201 : i32 to index
        %get3A_206 = arith.constant 16 : index
        %get3A_207 = tpu.vector_load %arg8[%get3A_205, %get3A_206] {strides = array<i32>} : memref<8x128xi32, #tpu.memory_space<vmem>>, vector<16xi32>,
        tpu.vector_store_idx %arg14[%get3A_207], %broadcast_in_dim3A_29 {add = true} : memref<10240xf32, #tpu.memory_space<vmem>>[vector<16xi32>], vector<16xf32>,
        %get3A_208 = arith.index_cast %add3A_201 : i32 to index
        %get3A_209 = arith.constant 32 : index
        %get3A_210 = tpu.vector_load %arg8[%get3A_208, %get3A_209] {strides = array<i32>} : memref<8x128xi32, #tpu.memory_space<vmem>>, vector<16xi32>,
        tpu.vector_store_idx %arg14[%get3A_210], %broadcast_in_dim3A_29 {add = true} : memref<10240xf32, #tpu.memory_space<vmem>>[vector<16xi32>], vector<16xf32>,
        %get3A_211 = arith.index_cast %add3A_201 : i32 to index
        %get3A_212 = arith.constant 48 : index
        %get3A_213 = tpu.vector_load %arg8[%get3A_211, %get3A_212] {strides = array<i32>} : memref<8x128xi32, #tpu.memory_space<vmem>>, vector<16xi32>,
        tpu.vector_store_idx %arg14[%get3A_213], %broadcast_in_dim3A_29 {add = true} : memref<10240xf32, #tpu.memory_space<vmem>>[vector<16xi32>], vector<16xf32>,
        %get3A_214 = arith.index_cast %add3A_201 : i32 to index
        %get3A_215 = arith.constant 64 : index
        %get3A_216 = tpu.vector_load %arg8[%get3A_214, %get3A_215] {strides = array<i32>} : memref<8x128xi32, #tpu.memory_space<vmem>>, vector<16xi32>,
        tpu.vector_store_idx %arg14[%get3A_216], %broadcast_in_dim3A_29 {add = true} : memref<10240xf32, #tpu.memory_space<vmem>>[vector<16xi32>], vector<16xf32>,
        %get3A_217 = arith.index_cast %add3A_201 : i32 to index
        %get3A_218 = arith.constant 80 : index
        %get3A_219 = tpu.vector_load %arg8[%get3A_217, %get3A_218] {strides = array<i32>} : memref<8x128xi32, #tpu.memory_space<vmem>>, vector<16xi32>,
        tpu.vector_store_idx %arg14[%get3A_219], %broadcast_in_dim3A_29 {add = true} : memref<10240xf32, #tpu.memory_space<vmem>>[vector<16xi32>], vector<16xf32>,
        %get3A_220 = arith.index_cast %add3A_201 : i32 to index
        %get3A_221 = arith.constant 96 : index
        %get3A_222 = tpu.vector_load %arg8[%get3A_220, %get3A_221] {strides = array<i32>} : memref<8x128xi32, #tpu.memory_space<vmem>>, vector<16xi32>,
        tpu.vector_store_idx %arg14[%get3A_222], %broadcast_in_dim3A_29 {add = true} : memref<10240xf32, #tpu.memory_space<vmem>>[vector<16xi32>], vector<16xf32>,
        %get3A_223 = arith.index_cast %add3A_201 : i32 to index
        %get3A_224 = arith.constant 112 : index
        %get3A_225 = tpu.vector_load %arg8[%get3A_223, %get3A_224] {strides = array<i32>} : memref<8x128xi32, #tpu.memory_space<vmem>>, vector<16xi32>,
        tpu.vector_store_idx %arg14[%get3A_225], %broadcast_in_dim3A_29 {add = true} : memref<10240xf32, #tpu.memory_space<vmem>>[vector<16xi32>], vector<16xf32>,
        %dma_wait3A_226 = arith.constant 0 : i32
        %dma_wait3A_227 = arith.constant 0 : i32
        %dma_wait3A_228 = tpu.memref_slice %arg2[%dma_wait3A_226, %dma_wait3A_227] : memref<10000x128xbf16, #tpu.memory_space<hbm>> -> memref<128x128xbf16, #tpu.memory_space<hbm>>
        %dma_wait3A_229 = arith.constant 0 : i32
        %dma_wait3A_230 = arith.constant 0 : i32
        %dma_wait3A_231 = tpu.memref_slice %arg2[%dma_wait3A_229, %dma_wait3A_230] : memref<10000x128xbf16, #tpu.memory_space<hbm>> -> memref<128x128xbf16, #tpu.memory_space<hbm>>
        tpu.wait_dma2 semaphore(%arg18 : memref<!tpu.dma_semaphore, #tpu.memory_space<semaphore_mem>>) src(%dma_wait3A_231 : memref<128x128xbf16, #tpu.memory_space<hbm>>) dst(%arg12 : memref<128x128xbf16, #tpu.memory_space<vmem>>)
        %dma_wait3A_232 = arith.constant 0 : i32
        %dma_wait3A_233 = arith.constant 0 : i32
        %dma_wait3A_234 = tpu.memref_slice %arg3[%dma_wait3A_232, %dma_wait3A_233] : memref<10000x128xbf16, #tpu.memory_space<hbm>> -> memref<128x128xbf16, #tpu.memory_space<hbm>>
        %dma_wait3A_235 = arith.constant 0 : i32
        %dma_wait3A_236 = arith.constant 0 : i32
        %dma_wait3A_237 = tpu.memref_slice %arg3[%dma_wait3A_235, %dma_wait3A_236] : memref<10000x128xbf16, #tpu.memory_space<hbm>> -> memref<128x128xbf16, #tpu.memory_space<hbm>>
        tpu.wait_dma2 semaphore(%arg19 : memref<!tpu.dma_semaphore, #tpu.memory_space<semaphore_mem>>) src(%dma_wait3A_237 : memref<128x128xbf16, #tpu.memory_space<hbm>>) dst(%arg13 : memref<128x128xbf16, #tpu.memory_space<vmem>>)
        %scan3A_238 = arith.constant 0 : i32
        %scan3A_239 = arith.constant 0 : i32
        %scan3A_240 = arith.constant 128 : i32
        %scan3A_241 = arith.addi %scan3A_239, %scan3A_240 : i32
        %scan3A_242 = arith.constant 1 : i32
        scf.for %scan3A_250 = %scan3A_239 to %scan3A_241 step %scan3A_242  : i32 {
          %get3A_251 = arith.index_cast %scan3A_250 : i32 to index
          %get3A_252 = arith.constant 0 : index
          %get3A_253 = tpu.vector_load %arg12[%get3A_251, %get3A_252] {strides = array<i32>} : memref<128x128xbf16, #tpu.memory_space<vmem>>, vector<32xbf16>,
          %get3A_254 = arith.index_cast %scan3A_250 : i32 to index
          %get3A_255 = arith.constant 0 : index
          %get3A_256 = tpu.vector_load %arg13[%get3A_254, %get3A_255] {strides = array<i32>} : memref<128x128xbf16, #tpu.memory_space<vmem>>, vector<32xbf16>,
          %sub3A_257 = arith.subf %get3A_253, %get3A_256 : vector<32xbf16>
          %max3A_258 = arith.constant 0.000000e+00 : bf16
          %max3A_259 = vector.broadcast %max3A_258 : bf16 to vector<32xbf16>
          %max3A_260 = arith.maximumf %sub3A_257, %max3A_259 : vector<32xbf16>
          %swap3A = arith.index_cast %scan3A_250 : i32 to index
          %swap3A_261 = arith.constant 0 : index
          %swap3A_262 = tpu.vector_load %arg12[%swap3A, %swap3A_261] {strides = array<i32>} : memref<128x128xbf16, #tpu.memory_space<vmem>>, vector<32xbf16>,
          tpu.vector_store %arg12[%swap3A, %swap3A_261], %max3A_260 {strides = array<i32>} : memref<128x128xbf16, #tpu.memory_space<vmem>>, vector<32xbf16>,
          %get3A_263 = arith.index_cast %scan3A_250 : i32 to index
          %get3A_264 = arith.constant 32 : index
          %get3A_265 = tpu.vector_load %arg12[%get3A_263, %get3A_264] {strides = array<i32>} : memref<128x128xbf16, #tpu.memory_space<vmem>>, vector<32xbf16>,
          %get3A_266 = arith.index_cast %scan3A_250 : i32 to index
          %get3A_267 = arith.constant 32 : index
          %get3A_268 = tpu.vector_load %arg13[%get3A_266, %get3A_267] {strides = array<i32>} : memref<128x128xbf16, #tpu.memory_space<vmem>>, vector<32xbf16>,
          %sub3A_269 = arith.subf %get3A_265, %get3A_268 : vector<32xbf16>
          %max3A_270 = arith.constant 0.000000e+00 : bf16
          %max3A_271 = vector.broadcast %max3A_270 : bf16 to vector<32xbf16>
          %max3A_272 = arith.maximumf %sub3A_269, %max3A_271 : vector<32xbf16>
          %swap3A_273 = arith.index_cast %scan3A_250 : i32 to index
          %swap3A_274 = arith.constant 32 : index
          %swap3A_275 = tpu.vector_load %arg12[%swap3A_273, %swap3A_274] {strides = array<i32>} : memref<128x128xbf16, #tpu.memory_space<vmem>>, vector<32xbf16>,
          tpu.vector_store %arg12[%swap3A_273, %swap3A_274], %max3A_272 {strides = array<i32>} : memref<128x128xbf16, #tpu.memory_space<vmem>>, vector<32xbf16>,
          %get3A_276 = arith.index_cast %scan3A_250 : i32 to index
          %get3A_277 = arith.constant 64 : index
          %get3A_278 = tpu.vector_load %arg12[%get3A_276, %get3A_277] {strides = array<i32>} : memref<128x128xbf16, #tpu.memory_space<vmem>>, vector<32xbf16>,
          %get3A_279 = arith.index_cast %scan3A_250 : i32 to index
          %get3A_280 = arith.constant 64 : index
          %get3A_281 = tpu.vector_load %arg13[%get3A_279, %get3A_280] {strides = array<i32>} : memref<128x128xbf16, #tpu.memory_space<vmem>>, vector<32xbf16>,
          %sub3A_282 = arith.subf %get3A_278, %get3A_281 : vector<32xbf16>
          %max3A_283 = arith.constant 0.000000e+00 : bf16
          %max3A_284 = vector.broadcast %max3A_283 : bf16 to vector<32xbf16>
          %max3A_285 = arith.maximumf %sub3A_282, %max3A_284 : vector<32xbf16>
          %swap3A_286 = arith.index_cast %scan3A_250 : i32 to index
          %swap3A_287 = arith.constant 64 : index
          %swap3A_288 = tpu.vector_load %arg12[%swap3A_286, %swap3A_287] {strides = array<i32>} : memref<128x128xbf16, #tpu.memory_space<vmem>>, vector<32xbf16>,
          tpu.vector_store %arg12[%swap3A_286, %swap3A_287], %max3A_285 {strides = array<i32>} : memref<128x128xbf16, #tpu.memory_space<vmem>>, vector<32xbf16>,
          %get3A_289 = arith.index_cast %scan3A_250 : i32 to index
          %get3A_290 = arith.constant 96 : index
          %get3A_291 = tpu.vector_load %arg12[%get3A_289, %get3A_290] {strides = array<i32>} : memref<128x128xbf16, #tpu.memory_space<vmem>>, vector<32xbf16>,
          %get3A_292 = arith.index_cast %scan3A_250 : i32 to index
          %get3A_293 = arith.constant 96 : index
          %get3A_294 = tpu.vector_load %arg13[%get3A_292, %get3A_293] {strides = array<i32>} : memref<128x128xbf16, #tpu.memory_space<vmem>>, vector<32xbf16>,
          %sub3A_295 = arith.subf %get3A_291, %get3A_294 : vector<32xbf16>
          %max3A_296 = arith.constant 0.000000e+00 : bf16
          %max3A_297 = vector.broadcast %max3A_296 : bf16 to vector<32xbf16>
          %max3A_298 = arith.maximumf %sub3A_295, %max3A_297 : vector<32xbf16>
          %swap3A_299 = arith.index_cast %scan3A_250 : i32 to index
          %swap3A_300 = arith.constant 96 : index
          %swap3A_301 = tpu.vector_load %arg12[%swap3A_299, %swap3A_300] {strides = array<i32>} : memref<128x128xbf16, #tpu.memory_space<vmem>>, vector<32xbf16>,
          tpu.vector_store %arg12[%swap3A_299, %swap3A_300], %max3A_298 {strides = array<i32>} : memref<128x128xbf16, #tpu.memory_space<vmem>>, vector<32xbf16>,
        }
        %scan3A_243 = arith.constant 128 : i32
        %dma_start3A_244 = arith.constant 0 : i32
        %dma_start3A_245 = tpu.memref_slice %arg8[%add3A_201, %dma_start3A_244] : memref<8x128xi32, #tpu.memory_space<vmem>> -> memref<1x128xi32, #tpu.memory_space<vmem>>
        %dma_start3A_246 = tpu.memref_squeeze %dma_start3A_245 : memref<1x128xi32, #tpu.memory_space<vmem>> -> memref<128xi32, #tpu.memory_space<vmem>>
        %dma_start3A_247 = arith.constant 0 : i32
        %dma_start3A_248 = arith.constant 0 : i32
        %dma_start3A_249 = tpu.memref_slice %arg15[%dma_start3A_247, %dma_start3A_248] : memref<10240x128xbf16, #tpu.memory_space<vmem_shared>> -> memref<10240x128xbf16, #tpu.memory_space<vmem_shared>>
        tpu.enqueue_indirect_dma source(%arg12 : memref<128x128xbf16, #tpu.memory_space<vmem>>) target(%dma_start3A_249 : memref<10240x128xbf16, #tpu.memory_space<vmem_shared>>) offsets(%dma_start3A_246 : memref<128xi32, #tpu.memory_space<vmem>>) semaphore(%arg21 : memref<!tpu.dma_semaphore, #tpu.memory_space<semaphore_mem>>) {add = true}
      }
      %dma_wait3A = arith.constant 0 : i32
      %dma_wait3A_118 = arith.constant 0 : i32
      %dma_wait3A_119 = tpu.memref_slice %arg15[%dma_wait3A, %dma_wait3A_118] : memref<10240x128xbf16, #tpu.memory_space<vmem_shared>> -> memref<128x128xbf16, #tpu.memory_space<vmem_shared>>
      %dma_wait3A_120 = arith.constant 0 : i32
      %dma_wait3A_121 = arith.constant 0 : i32
      %dma_wait3A_122 = tpu.memref_slice %arg15[%dma_wait3A_120, %dma_wait3A_121] : memref<10240x128xbf16, #tpu.memory_space<vmem_shared>> -> memref<128x128xbf16, #tpu.memory_space<vmem_shared>>
      tpu.wait_dma2 semaphore(%arg20 : memref<!tpu.dma_semaphore, #tpu.memory_space<semaphore_mem>>) src(%arg10 : memref<128x128xbf16, #tpu.memory_space<vmem>>) dst(%dma_wait3A_122 : memref<128x128xbf16, #tpu.memory_space<vmem_shared>>)
      %dma_wait3A_123 = arith.constant 0 : i32
      %dma_wait3A_124 = arith.constant 0 : i32
      %dma_wait3A_125 = tpu.memref_slice %arg15[%dma_wait3A_123, %dma_wait3A_124] : memref<10240x128xbf16, #tpu.memory_space<vmem_shared>> -> memref<128x128xbf16, #tpu.memory_space<vmem_shared>>
      %dma_wait3A_126 = arith.constant 0 : i32
      %dma_wait3A_127 = arith.constant 0 : i32
      %dma_wait3A_128 = tpu.memref_slice %arg15[%dma_wait3A_126, %dma_wait3A_127] : memref<10240x128xbf16, #tpu.memory_space<vmem_shared>> -> memref<128x128xbf16, #tpu.memory_space<vmem_shared>>
      tpu.wait_dma2 semaphore(%arg21 : memref<!tpu.dma_semaphore, #tpu.memory_space<semaphore_mem>>) src(%arg12 : memref<128x128xbf16, #tpu.memory_space<vmem>>) dst(%dma_wait3A_128 : memref<128x128xbf16, #tpu.memory_space<vmem_shared>>)
    }
    %while3A_57 = arith.constant 1 : i32
    scf.for %while3A_59 = %while3A_55 to %while3A_51 step %while3A_57  : i32 {
      %mul3A_60 = arith.constant 8 : i32
      %mul3A_61 = arith.muli %while3A_59, %mul3A_60 : i32
      %add3A_62 = arith.addi %mul3A_25, %mul3A_61 : i32
      "tpu.region"() ({
        %run_scoped3A = tpu.sem_alloc : memref<!tpu.dma_semaphore, #tpu.memory_space<semaphore_mem>>
        %dma_start3A_129 = arith.constant 0 : i32
        %dma_start3A_130 = tpu.memref_slice %arg4[%add3A_62, %dma_start3A_129] : memref<2560x128xi32, #tpu.memory_space<hbm>> -> memref<8x128xi32, #tpu.memory_space<hbm>>
        %dma_start3A_131 = arith.constant 0 : i32
        %dma_start3A_132 = tpu.memref_slice %arg4[%add3A_62, %dma_start3A_131] : memref<2560x128xi32, #tpu.memory_space<hbm>> -> memref<8x128xi32, #tpu.memory_space<hbm>>
        tpu.enqueue_dma source(%dma_start3A_132 : memref<8x128xi32, #tpu.memory_space<hbm>>) target(%arg8 : memref<8x128xi32, #tpu.memory_space<vmem>>) target_semaphore(%run_scoped3A : memref<!tpu.dma_semaphore, #tpu.memory_space<semaphore_mem>>)
        %dma_wait3A_133 = arith.constant 0 : i32
        %dma_wait3A_134 = tpu.memref_slice %arg4[%add3A_62, %dma_wait3A_133] : memref<2560x128xi32, #tpu.memory_space<hbm>> -> memref<8x128xi32, #tpu.memory_space<hbm>>
        %dma_wait3A_135 = arith.constant 0 : i32
        %dma_wait3A_136 = tpu.memref_slice %arg4[%add3A_62, %dma_wait3A_135] : memref<2560x128xi32, #tpu.memory_space<hbm>> -> memref<8x128xi32, #tpu.memory_space<hbm>>
        tpu.wait_dma2 semaphore(%run_scoped3A : memref<!tpu.dma_semaphore, #tpu.memory_space<semaphore_mem>>) src(%dma_wait3A_136 : memref<8x128xi32, #tpu.memory_space<hbm>>) dst(%arg8 : memref<8x128xi32, #tpu.memory_space<vmem>>)
        tpu.yield
      }) : () -> ()
      %mul3A_63 = arith.constant 8 : i32
      %mul3A_64 = arith.muli %while3A_59, %mul3A_63 : i32
      %add3A_65 = arith.addi %mul3A_25, %mul3A_64 : i32
      "tpu.region"() ({
        %run_scoped3A = tpu.sem_alloc : memref<!tpu.dma_semaphore, #tpu.memory_space<semaphore_mem>>
        %dma_start3A_129 = arith.constant 0 : i32
        %dma_start3A_130 = tpu.memref_slice %arg5[%add3A_65, %dma_start3A_129] : memref<2560x128xi32, #tpu.memory_space<hbm>> -> memref<8x128xi32, #tpu.memory_space<hbm>>
        %dma_start3A_131 = arith.constant 0 : i32
        %dma_start3A_132 = tpu.memref_slice %arg5[%add3A_65, %dma_start3A_131] : memref<2560x128xi32, #tpu.memory_space<hbm>> -> memref<8x128xi32, #tpu.memory_space<hbm>>
        tpu.enqueue_dma source(%dma_start3A_132 : memref<8x128xi32, #tpu.memory_space<hbm>>) target(%arg9 : memref<8x128xi32, #tpu.memory_space<vmem>>) target_semaphore(%run_scoped3A : memref<!tpu.dma_semaphore, #tpu.memory_space<semaphore_mem>>)
        %dma_wait3A_133 = arith.constant 0 : i32
        %dma_wait3A_134 = tpu.memref_slice %arg5[%add3A_65, %dma_wait3A_133] : memref<2560x128xi32, #tpu.memory_space<hbm>> -> memref<8x128xi32, #tpu.memory_space<hbm>>
        %dma_wait3A_135 = arith.constant 0 : i32
        %dma_wait3A_136 = tpu.memref_slice %arg5[%add3A_65, %dma_wait3A_135] : memref<2560x128xi32, #tpu.memory_space<hbm>> -> memref<8x128xi32, #tpu.memory_space<hbm>>
        tpu.wait_dma2 semaphore(%run_scoped3A : memref<!tpu.dma_semaphore, #tpu.memory_space<semaphore_mem>>) src(%dma_wait3A_136 : memref<8x128xi32, #tpu.memory_space<hbm>>) dst(%arg9 : memref<8x128xi32, #tpu.memory_space<vmem>>)
        tpu.yield
      }) : () -> ()
      %mul3A_66 = arith.constant 8 : i32
      %mul3A_67 = arith.muli %while3A_59, %mul3A_66 : i32
      %sub3A_68 = arith.subi %max3A_28, %mul3A_67 : i32
      %min3A_69 = arith.constant 8 : i32
      %min3A_70 = arith.minsi %sub3A_68, %min3A_69 : i32
      %dma_start3A = arith.constant 0 : i32
      %dma_start3A_71 = arith.constant 0 : i32
      %dma_start3A_72 = tpu.memref_slice %arg8[%dma_start3A, %dma_start3A_71] : memref<8x128xi32, #tpu.memory_space<vmem>> -> memref<1x128xi32, #tpu.memory_space<vmem>>
      %dma_start3A_73 = tpu.memref_squeeze %dma_start3A_72 : memref<1x128xi32, #tpu.memory_space<vmem>> -> memref<128xi32, #tpu.memory_space<vmem>>
      %dma_start3A_74 = arith.constant 0 : i32
      %dma_start3A_75 = arith.constant 0 : i32
      %dma_start3A_76 = tpu.memref_slice %arg2[%dma_start3A_74, %dma_start3A_75] : memref<10000x128xbf16, #tpu.memory_space<hbm>> -> memref<10000x128xbf16, #tpu.memory_space<hbm>>
      tpu.enqueue_indirect_dma source(%dma_start3A_76 : memref<10000x128xbf16, #tpu.memory_space<hbm>>) target(%arg10 : memref<128x128xbf16, #tpu.memory_space<vmem>>) offsets(%dma_start3A_73 : memref<128xi32, #tpu.memory_space<vmem>>) semaphore(%arg16 : memref<!tpu.dma_semaphore, #tpu.memory_space<semaphore_mem>>)
      %dma_start3A_77 = arith.constant 0 : i32
      %dma_start3A_78 = arith.constant 0 : i32
      %dma_start3A_79 = tpu.memref_slice %arg9[%dma_start3A_77, %dma_start3A_78] : memref<8x128xi32, #tpu.memory_space<vmem>> -> memref<1x128xi32, #tpu.memory_space<vmem>>
      %dma_start3A_80 = tpu.memref_squeeze %dma_start3A_79 : memref<1x128xi32, #tpu.memory_space<vmem>> -> memref<128xi32, #tpu.memory_space<vmem>>
      %dma_start3A_81 = arith.constant 0 : i32
      %dma_start3A_82 = arith.constant 0 : i32
      %dma_start3A_83 = tpu.memref_slice %arg3[%dma_start3A_81, %dma_start3A_82] : memref<10000x128xbf16, #tpu.memory_space<hbm>> -> memref<10000x128xbf16, #tpu.memory_space<hbm>>
      tpu.enqueue_indirect_dma source(%dma_start3A_83 : memref<10000x128xbf16, #tpu.memory_space<hbm>>) target(%arg11 : memref<128x128xbf16, #tpu.memory_space<vmem>>) offsets(%dma_start3A_80 : memref<128xi32, #tpu.memory_space<vmem>>) semaphore(%arg17 : memref<!tpu.dma_semaphore, #tpu.memory_space<semaphore_mem>>)
      %jit3A_84 = arith.constant 2 : i32
      %div3A_85 = arith.divsi %min3A_70, %jit3A_84 : i32
      %sign3A_86 = arith.constant 0 : i32
      %sign3A_87 = arith.cmpi sgt, %min3A_70, %sign3A_86 : i32
      %sign3A_88 = arith.extui %sign3A_87 : i1 to i32
      %sign3A_89 = arith.constant 0 : i32
      %sign3A_90 = arith.cmpi slt, %min3A_70, %sign3A_89 : i32
      %sign3A_91 = arith.extui %sign3A_90 : i1 to i32
      %sign3A_92 = arith.subi %sign3A_88, %sign3A_91 : i32
      %sign3A_93 = arith.constant 0 : i32
      %sign3A_94 = arith.cmpi sgt, %jit3A_84, %sign3A_93 : i32
      %sign3A_95 = arith.extui %sign3A_94 : i1 to i32
      %sign3A_96 = arith.constant 0 : i32
      %sign3A_97 = arith.cmpi slt, %jit3A_84, %sign3A_96 : i32
      %sign3A_98 = arith.extui %sign3A_97 : i1 to i32
      %sign3A_99 = arith.subi %sign3A_95, %sign3A_98 : i32
      %ne3A_100 = arith.cmpi ne, %sign3A_92, %sign3A_99 : i32
      %rem3A_101 = arith.remsi %min3A_70, %jit3A_84 : i32
      %ne3A_102 = arith.constant 0 : i32
      %ne3A_103 = arith.cmpi ne, %rem3A_101, %ne3A_102 : i32
      %and3A_104 = arith.andi %ne3A_100, %ne3A_103 : i1
      %sub3A_105 = arith.constant 1 : i32
      %sub3A_106 = arith.subi %div3A_85, %sub3A_105 : i32
      %select_n3A_107 = arith.select %and3A_104, %sub3A_106, %div3A_85 : i32
      %while3A_108 = arith.constant 0 : i32
      %while3A_109 = arith.constant 0 : i32
      %while3A_110 = arith.subi %select_n3A_107, %while3A_109 : i32
      %while3A_111 = arith.addi %while3A_109, %while3A_110 : i32
      %while3A_112 = arith.constant 1 : i32
      %while3A_113 = arith.divsi %while3A_110, %while3A_112 : i32
      %while3A_114 = arith.muli %while3A_113, %while3A_112 : i32
      %while3A_115 = arith.addi %while3A_109, %while3A_114 : i32
      %while3A_116 = arith.constant 1 : i32
      scf.for %while3A_129 = %while3A_109 to %while3A_115 step %while3A_116  : i32 {
        %mul3A_130 = arith.constant 2 : i32
        %mul3A_131 = arith.muli %mul3A_130, %while3A_129 : i32
        %gt3A = arith.constant 0 : i32
        %gt3A_132 = arith.cmpi sgt, %while3A_129, %gt3A : i32
        %convert_element_type3A = arith.extui %gt3A_132 : i1 to i32
        %cond3A = arith.constant 0 : i32
        %cond3A_133 = arith.cmpi ne, %convert_element_type3A, %cond3A : i32
        scf.if %cond3A_133 {
          %dma_wait3A_250 = arith.constant 0 : i32
          %dma_wait3A_251 = arith.constant 0 : i32
          %dma_wait3A_252 = tpu.memref_slice %arg15[%dma_wait3A_250, %dma_wait3A_251] : memref<10240x128xbf16, #tpu.memory_space<vmem_shared>> -> memref<128x128xbf16, #tpu.memory_space<vmem_shared>>
          %dma_wait3A_253 = arith.constant 0 : i32
          %dma_wait3A_254 = arith.constant 0 : i32
          %dma_wait3A_255 = tpu.memref_slice %arg15[%dma_wait3A_253, %dma_wait3A_254] : memref<10240x128xbf16, #tpu.memory_space<vmem_shared>> -> memref<128x128xbf16, #tpu.memory_space<vmem_shared>>
          tpu.wait_dma2 semaphore(%arg21 : memref<!tpu.dma_semaphore, #tpu.memory_space<semaphore_mem>>) src(%arg12 : memref<128x128xbf16, #tpu.memory_space<vmem>>) dst(%dma_wait3A_255 : memref<128x128xbf16, #tpu.memory_space<vmem_shared>>)
        } else {
        }
        %add3A_134 = arith.constant 1 : i32
        %add3A_135 = arith.addi %mul3A_131, %add3A_134 : i32
        %dma_start3A_136 = arith.constant 0 : i32
        %dma_start3A_137 = tpu.memref_slice %arg8[%add3A_135, %dma_start3A_136] : memref<8x128xi32, #tpu.memory_space<vmem>> -> memref<1x128xi32, #tpu.memory_space<vmem>>
        %dma_start3A_138 = tpu.memref_squeeze %dma_start3A_137 : memref<1x128xi32, #tpu.memory_space<vmem>> -> memref<128xi32, #tpu.memory_space<vmem>>
        %dma_start3A_139 = arith.constant 0 : i32
        %dma_start3A_140 = arith.constant 0 : i32
        %dma_start3A_141 = tpu.memref_slice %arg2[%dma_start3A_139, %dma_start3A_140] : memref<10000x128xbf16, #tpu.memory_space<hbm>> -> memref<10000x128xbf16, #tpu.memory_space<hbm>>
        tpu.enqueue_indirect_dma source(%dma_start3A_141 : memref<10000x128xbf16, #tpu.memory_space<hbm>>) target(%arg12 : memref<128x128xbf16, #tpu.memory_space<vmem>>) offsets(%dma_start3A_138 : memref<128xi32, #tpu.memory_space<vmem>>) semaphore(%arg18 : memref<!tpu.dma_semaphore, #tpu.memory_space<semaphore_mem>>)
        %dma_start3A_142 = arith.constant 0 : i32
        %dma_start3A_143 = tpu.memref_slice %arg9[%add3A_135, %dma_start3A_142] : memref<8x128xi32, #tpu.memory_space<vmem>> -> memref<1x128xi32, #tpu.memory_space<vmem>>
        %dma_start3A_144 = tpu.memref_squeeze %dma_start3A_143 : memref<1x128xi32, #tpu.memory_space<vmem>> -> memref<128xi32, #tpu.memory_space<vmem>>
        %dma_start3A_145 = arith.constant 0 : i32
        %dma_start3A_146 = arith.constant 0 : i32
        %dma_start3A_147 = tpu.memref_slice %arg3[%dma_start3A_145, %dma_start3A_146] : memref<10000x128xbf16, #tpu.memory_space<hbm>> -> memref<10000x128xbf16, #tpu.memory_space<hbm>>
        tpu.enqueue_indirect_dma source(%dma_start3A_147 : memref<10000x128xbf16, #tpu.memory_space<hbm>>) target(%arg13 : memref<128x128xbf16, #tpu.memory_space<vmem>>) offsets(%dma_start3A_144 : memref<128xi32, #tpu.memory_space<vmem>>) semaphore(%arg19 : memref<!tpu.dma_semaphore, #tpu.memory_space<semaphore_mem>>)
        %get3A = arith.index_cast %mul3A_131 : i32 to index
        %get3A_148 = arith.constant 0 : index
        %get3A_149 = tpu.vector_load %arg8[%get3A, %get3A_148] {strides = array<i32>} : memref<8x128xi32, #tpu.memory_space<vmem>>, vector<16xi32>,
        tpu.vector_store_idx %arg14[%get3A_149], %broadcast_in_dim3A_29 {add = true} : memref<10240xf32, #tpu.memory_space<vmem>>[vector<16xi32>], vector<16xf32>,
        %get3A_150 = arith.index_cast %mul3A_131 : i32 to index
        %get3A_151 = arith.constant 16 : index
        %get3A_152 = tpu.vector_load %arg8[%get3A_150, %get3A_151] {strides = array<i32>} : memref<8x128xi32, #tpu.memory_space<vmem>>, vector<16xi32>,
        tpu.vector_store_idx %arg14[%get3A_152], %broadcast_in_dim3A_29 {add = true} : memref<10240xf32, #tpu.memory_space<vmem>>[vector<16xi32>], vector<16xf32>,
        %get3A_153 = arith.index_cast %mul3A_131 : i32 to index
        %get3A_154 = arith.constant 32 : index
        %get3A_155 = tpu.vector_load %arg8[%get3A_153, %get3A_154] {strides = array<i32>} : memref<8x128xi32, #tpu.memory_space<vmem>>, vector<16xi32>,
        tpu.vector_store_idx %arg14[%get3A_155], %broadcast_in_dim3A_29 {add = true} : memref<10240xf32, #tpu.memory_space<vmem>>[vector<16xi32>], vector<16xf32>,
        %get3A_156 = arith.index_cast %mul3A_131 : i32 to index
        %get3A_157 = arith.constant 48 : index
        %get3A_158 = tpu.vector_load %arg8[%get3A_156, %get3A_157] {strides = array<i32>} : memref<8x128xi32, #tpu.memory_space<vmem>>, vector<16xi32>,
        tpu.vector_store_idx %arg14[%get3A_158], %broadcast_in_dim3A_29 {add = true} : memref<10240xf32, #tpu.memory_space<vmem>>[vector<16xi32>], vector<16xf32>,
        %get3A_159 = arith.index_cast %mul3A_131 : i32 to index
        %get3A_160 = arith.constant 64 : index
        %get3A_161 = tpu.vector_load %arg8[%get3A_159, %get3A_160] {strides = array<i32>} : memref<8x128xi32, #tpu.memory_space<vmem>>, vector<16xi32>,
        tpu.vector_store_idx %arg14[%get3A_161], %broadcast_in_dim3A_29 {add = true} : memref<10240xf32, #tpu.memory_space<vmem>>[vector<16xi32>], vector<16xf32>,
        %get3A_162 = arith.index_cast %mul3A_131 : i32 to index
        %get3A_163 = arith.constant 80 : index
        %get3A_164 = tpu.vector_load %arg8[%get3A_162, %get3A_163] {strides = array<i32>} : memref<8x128xi32, #tpu.memory_space<vmem>>, vector<16xi32>,
        tpu.vector_store_idx %arg14[%get3A_164], %broadcast_in_dim3A_29 {add = true} : memref<10240xf32, #tpu.memory_space<vmem>>[vector<16xi32>], vector<16xf32>,
        %get3A_165 = arith.index_cast %mul3A_131 : i32 to index
        %get3A_166 = arith.constant 96 : index
        %get3A_167 = tpu.vector_load %arg8[%get3A_165, %get3A_166] {strides = array<i32>} : memref<8x128xi32, #tpu.memory_space<vmem>>, vector<16xi32>,
        tpu.vector_store_idx %arg14[%get3A_167], %broadcast_in_dim3A_29 {add = true} : memref<10240xf32, #tpu.memory_space<vmem>>[vector<16xi32>], vector<16xf32>,
        %get3A_168 = arith.index_cast %mul3A_131 : i32 to index
        %get3A_169 = arith.constant 112 : index
        %get3A_170 = tpu.vector_load %arg8[%get3A_168, %get3A_169] {strides = array<i32>} : memref<8x128xi32, #tpu.memory_space<vmem>>, vector<16xi32>,
        tpu.vector_store_idx %arg14[%get3A_170], %broadcast_in_dim3A_29 {add = true} : memref<10240xf32, #tpu.memory_space<vmem>>[vector<16xi32>], vector<16xf32>,
        %dma_wait3A_171 = arith.constant 0 : i32
        %dma_wait3A_172 = arith.constant 0 : i32
        %dma_wait3A_173 = tpu.memref_slice %arg2[%dma_wait3A_171, %dma_wait3A_172] : memref<10000x128xbf16, #tpu.memory_space<hbm>> -> memref<128x128xbf16, #tpu.memory_space<hbm>>
        %dma_wait3A_174 = arith.constant 0 : i32
        %dma_wait3A_175 = arith.constant 0 : i32
        %dma_wait3A_176 = tpu.memref_slice %arg2[%dma_wait3A_174, %dma_wait3A_175] : memref<10000x128xbf16, #tpu.memory_space<hbm>> -> memref<128x128xbf16, #tpu.memory_space<hbm>>
        tpu.wait_dma2 semaphore(%arg16 : memref<!tpu.dma_semaphore, #tpu.memory_space<semaphore_mem>>) src(%dma_wait3A_176 : memref<128x128xbf16, #tpu.memory_space<hbm>>) dst(%arg10 : memref<128x128xbf16, #tpu.memory_space<vmem>>)
        %dma_wait3A_177 = arith.constant 0 : i32
        %dma_wait3A_178 = arith.constant 0 : i32
        %dma_wait3A_179 = tpu.memref_slice %arg3[%dma_wait3A_177, %dma_wait3A_178] : memref<10000x128xbf16, #tpu.memory_space<hbm>> -> memref<128x128xbf16, #tpu.memory_space<hbm>>
        %dma_wait3A_180 = arith.constant 0 : i32
        %dma_wait3A_181 = arith.constant 0 : i32
        %dma_wait3A_182 = tpu.memref_slice %arg3[%dma_wait3A_180, %dma_wait3A_181] : memref<10000x128xbf16, #tpu.memory_space<hbm>> -> memref<128x128xbf16, #tpu.memory_space<hbm>>
        tpu.wait_dma2 semaphore(%arg17 : memref<!tpu.dma_semaphore, #tpu.memory_space<semaphore_mem>>) src(%dma_wait3A_182 : memref<128x128xbf16, #tpu.memory_space<hbm>>) dst(%arg11 : memref<128x128xbf16, #tpu.memory_space<vmem>>)
        %scan3A_183 = arith.constant 0 : i32
        %scan3A_184 = arith.constant 0 : i32
        %scan3A_185 = arith.constant 128 : i32
        %scan3A_186 = arith.addi %scan3A_184, %scan3A_185 : i32
        %scan3A_187 = arith.constant 1 : i32
        scf.for %scan3A_250 = %scan3A_184 to %scan3A_186 step %scan3A_187  : i32 {
          %get3A_251 = arith.index_cast %scan3A_250 : i32 to index
          %get3A_252 = arith.constant 0 : index
          %get3A_253 = tpu.vector_load %arg10[%get3A_251, %get3A_252] {strides = array<i32>} : memref<128x128xbf16, #tpu.memory_space<vmem>>, vector<32xbf16>,
          %get3A_254 = arith.index_cast %scan3A_250 : i32 to index
          %get3A_255 = arith.constant 0 : index
          %get3A_256 = tpu.vector_load %arg11[%get3A_254, %get3A_255] {strides = array<i32>} : memref<128x128xbf16, #tpu.memory_space<vmem>>, vector<32xbf16>,
          %sub3A_257 = arith.subf %get3A_253, %get3A_256 : vector<32xbf16>
          %max3A_258 = arith.constant 0.000000e+00 : bf16
          %max3A_259 = vector.broadcast %max3A_258 : bf16 to vector<32xbf16>
          %max3A_260 = arith.maximumf %sub3A_257, %max3A_259 : vector<32xbf16>
          %swap3A = arith.index_cast %scan3A_250 : i32 to index
          %swap3A_261 = arith.constant 0 : index
          %swap3A_262 = tpu.vector_load %arg10[%swap3A, %swap3A_261] {strides = array<i32>} : memref<128x128xbf16, #tpu.memory_space<vmem>>, vector<32xbf16>,
          tpu.vector_store %arg10[%swap3A, %swap3A_261], %max3A_260 {strides = array<i32>} : memref<128x128xbf16, #tpu.memory_space<vmem>>, vector<32xbf16>,
          %get3A_263 = arith.index_cast %scan3A_250 : i32 to index
          %get3A_264 = arith.constant 32 : index
          %get3A_265 = tpu.vector_load %arg10[%get3A_263, %get3A_264] {strides = array<i32>} : memref<128x128xbf16, #tpu.memory_space<vmem>>, vector<32xbf16>,
          %get3A_266 = arith.index_cast %scan3A_250 : i32 to index
          %get3A_267 = arith.constant 32 : index
          %get3A_268 = tpu.vector_load %arg11[%get3A_266, %get3A_267] {strides = array<i32>} : memref<128x128xbf16, #tpu.memory_space<vmem>>, vector<32xbf16>,
          %sub3A_269 = arith.subf %get3A_265, %get3A_268 : vector<32xbf16>
          %max3A_270 = arith.constant 0.000000e+00 : bf16
          %max3A_271 = vector.broadcast %max3A_270 : bf16 to vector<32xbf16>
          %max3A_272 = arith.maximumf %sub3A_269, %max3A_271 : vector<32xbf16>
          %swap3A_273 = arith.index_cast %scan3A_250 : i32 to index
          %swap3A_274 = arith.constant 32 : index
          %swap3A_275 = tpu.vector_load %arg10[%swap3A_273, %swap3A_274] {strides = array<i32>} : memref<128x128xbf16, #tpu.memory_space<vmem>>, vector<32xbf16>,
          tpu.vector_store %arg10[%swap3A_273, %swap3A_274], %max3A_272 {strides = array<i32>} : memref<128x128xbf16, #tpu.memory_space<vmem>>, vector<32xbf16>,
          %get3A_276 = arith.index_cast %scan3A_250 : i32 to index
          %get3A_277 = arith.constant 64 : index
          %get3A_278 = tpu.vector_load %arg10[%get3A_276, %get3A_277] {strides = array<i32>} : memref<128x128xbf16, #tpu.memory_space<vmem>>, vector<32xbf16>,
          %get3A_279 = arith.index_cast %scan3A_250 : i32 to index
          %get3A_280 = arith.constant 64 : index
          %get3A_281 = tpu.vector_load %arg11[%get3A_279, %get3A_280] {strides = array<i32>} : memref<128x128xbf16, #tpu.memory_space<vmem>>, vector<32xbf16>,
          %sub3A_282 = arith.subf %get3A_278, %get3A_281 : vector<32xbf16>
          %max3A_283 = arith.constant 0.000000e+00 : bf16
          %max3A_284 = vector.broadcast %max3A_283 : bf16 to vector<32xbf16>
          %max3A_285 = arith.maximumf %sub3A_282, %max3A_284 : vector<32xbf16>
          %swap3A_286 = arith.index_cast %scan3A_250 : i32 to index
          %swap3A_287 = arith.constant 64 : index
          %swap3A_288 = tpu.vector_load %arg10[%swap3A_286, %swap3A_287] {strides = array<i32>} : memref<128x128xbf16, #tpu.memory_space<vmem>>, vector<32xbf16>,
          tpu.vector_store %arg10[%swap3A_286, %swap3A_287], %max3A_285 {strides = array<i32>} : memref<128x128xbf16, #tpu.memory_space<vmem>>, vector<32xbf16>,
          %get3A_289 = arith.index_cast %scan3A_250 : i32 to index
          %get3A_290 = arith.constant 96 : index
          %get3A_291 = tpu.vector_load %arg10[%get3A_289, %get3A_290] {strides = array<i32>} : memref<128x128xbf16, #tpu.memory_space<vmem>>, vector<32xbf16>,
          %get3A_292 = arith.index_cast %scan3A_250 : i32 to index
          %get3A_293 = arith.constant 96 : index
          %get3A_294 = tpu.vector_load %arg11[%get3A_292, %get3A_293] {strides = array<i32>} : memref<128x128xbf16, #tpu.memory_space<vmem>>, vector<32xbf16>,
          %sub3A_295 = arith.subf %get3A_291, %get3A_294 : vector<32xbf16>
          %max3A_296 = arith.constant 0.000000e+00 : bf16
          %max3A_297 = vector.broadcast %max3A_296 : bf16 to vector<32xbf16>
          %max3A_298 = arith.maximumf %sub3A_295, %max3A_297 : vector<32xbf16>
          %swap3A_299 = arith.index_cast %scan3A_250 : i32 to index
          %swap3A_300 = arith.constant 96 : index
          %swap3A_301 = tpu.vector_load %arg10[%swap3A_299, %swap3A_300] {strides = array<i32>} : memref<128x128xbf16, #tpu.memory_space<vmem>>, vector<32xbf16>,
          tpu.vector_store %arg10[%swap3A_299, %swap3A_300], %max3A_298 {strides = array<i32>} : memref<128x128xbf16, #tpu.memory_space<vmem>>, vector<32xbf16>,
        }
        %scan3A_188 = arith.constant 128 : i32
        %dma_start3A_189 = arith.constant 0 : i32
        %dma_start3A_190 = tpu.memref_slice %arg8[%mul3A_131, %dma_start3A_189] : memref<8x128xi32, #tpu.memory_space<vmem>> -> memref<1x128xi32, #tpu.memory_space<vmem>>
        %dma_start3A_191 = tpu.memref_squeeze %dma_start3A_190 : memref<1x128xi32, #tpu.memory_space<vmem>> -> memref<128xi32, #tpu.memory_space<vmem>>
        %dma_start3A_192 = arith.constant 0 : i32
        %dma_start3A_193 = arith.constant 0 : i32
        %dma_start3A_194 = tpu.memref_slice %arg15[%dma_start3A_192, %dma_start3A_193] : memref<10240x128xbf16, #tpu.memory_space<vmem_shared>> -> memref<10240x128xbf16, #tpu.memory_space<vmem_shared>>
        tpu.enqueue_indirect_dma source(%arg10 : memref<128x128xbf16, #tpu.memory_space<vmem>>) target(%dma_start3A_194 : memref<10240x128xbf16, #tpu.memory_space<vmem_shared>>) offsets(%dma_start3A_191 : memref<128xi32, #tpu.memory_space<vmem>>) semaphore(%arg20 : memref<!tpu.dma_semaphore, #tpu.memory_space<semaphore_mem>>) {add = true}
        %add3A_195 = arith.constant 2 : i32
        %add3A_196 = arith.addi %mul3A_131, %add3A_195 : i32
        %lt3A = arith.cmpi slt, %add3A_196, %min3A_70 : i32
        %convert_element_type3A_197 = arith.extui %lt3A : i1 to i32
        %cond3A_198 = arith.constant 0 : i32
        %cond3A_199 = arith.cmpi ne, %convert_element_type3A_197, %cond3A_198 : i32
        scf.if %cond3A_199 {
          %dma_wait3A_250 = arith.constant 0 : i32
          %dma_wait3A_251 = arith.constant 0 : i32
          %dma_wait3A_252 = tpu.memref_slice %arg15[%dma_wait3A_250, %dma_wait3A_251] : memref<10240x128xbf16, #tpu.memory_space<vmem_shared>> -> memref<128x128xbf16, #tpu.memory_space<vmem_shared>>
          %dma_wait3A_253 = arith.constant 0 : i32
          %dma_wait3A_254 = arith.constant 0 : i32
          %dma_wait3A_255 = tpu.memref_slice %arg15[%dma_wait3A_253, %dma_wait3A_254] : memref<10240x128xbf16, #tpu.memory_space<vmem_shared>> -> memref<128x128xbf16, #tpu.memory_space<vmem_shared>>
          tpu.wait_dma2 semaphore(%arg20 : memref<!tpu.dma_semaphore, #tpu.memory_space<semaphore_mem>>) src(%arg10 : memref<128x128xbf16, #tpu.memory_space<vmem>>) dst(%dma_wait3A_255 : memref<128x128xbf16, #tpu.memory_space<vmem_shared>>)
          %add3A_256 = arith.constant 2 : i32
          %add3A_257 = arith.addi %mul3A_131, %add3A_256 : i32
          %dma_start3A_258 = arith.constant 0 : i32
          %dma_start3A_259 = tpu.memref_slice %arg8[%add3A_257, %dma_start3A_258] : memref<8x128xi32, #tpu.memory_space<vmem>> -> memref<1x128xi32, #tpu.memory_space<vmem>>
          %dma_start3A_260 = tpu.memref_squeeze %dma_start3A_259 : memref<1x128xi32, #tpu.memory_space<vmem>> -> memref<128xi32, #tpu.memory_space<vmem>>
          %dma_start3A_261 = arith.constant 0 : i32
          %dma_start3A_262 = arith.constant 0 : i32
          %dma_start3A_263 = tpu.memref_slice %arg2[%dma_start3A_261, %dma_start3A_262] : memref<10000x128xbf16, #tpu.memory_space<hbm>> -> memref<10000x128xbf16, #tpu.memory_space<hbm>>
          tpu.enqueue_indirect_dma source(%dma_start3A_263 : memref<10000x128xbf16, #tpu.memory_space<hbm>>) target(%arg10 : memref<128x128xbf16, #tpu.memory_space<vmem>>) offsets(%dma_start3A_260 : memref<128xi32, #tpu.memory_space<vmem>>) semaphore(%arg16 : memref<!tpu.dma_semaphore, #tpu.memory_space<semaphore_mem>>)
          %dma_start3A_264 = arith.constant 0 : i32
          %dma_start3A_265 = tpu.memref_slice %arg9[%add3A_257, %dma_start3A_264] : memref<8x128xi32, #tpu.memory_space<vmem>> -> memref<1x128xi32, #tpu.memory_space<vmem>>
          %dma_start3A_266 = tpu.memref_squeeze %dma_start3A_265 : memref<1x128xi32, #tpu.memory_space<vmem>> -> memref<128xi32, #tpu.memory_space<vmem>>
          %dma_start3A_267 = arith.constant 0 : i32
          %dma_start3A_268 = arith.constant 0 : i32
          %dma_start3A_269 = tpu.memref_slice %arg3[%dma_start3A_267, %dma_start3A_268] : memref<10000x128xbf16, #tpu.memory_space<hbm>> -> memref<10000x128xbf16, #tpu.memory_space<hbm>>
          tpu.enqueue_indirect_dma source(%dma_start3A_269 : memref<10000x128xbf16, #tpu.memory_space<hbm>>) target(%arg11 : memref<128x128xbf16, #tpu.memory_space<vmem>>) offsets(%dma_start3A_266 : memref<128xi32, #tpu.memory_space<vmem>>) semaphore(%arg17 : memref<!tpu.dma_semaphore, #tpu.memory_space<semaphore_mem>>)
        } else {
        }
        %add3A_200 = arith.constant 1 : i32
        %add3A_201 = arith.addi %mul3A_131, %add3A_200 : i32
        %get3A_202 = arith.index_cast %add3A_201 : i32 to index
        %get3A_203 = arith.constant 0 : index
        %get3A_204 = tpu.vector_load %arg8[%get3A_202, %get3A_203] {strides = array<i32>} : memref<8x128xi32, #tpu.memory_space<vmem>>, vector<16xi32>,
        tpu.vector_store_idx %arg14[%get3A_204], %broadcast_in_dim3A_29 {add = true} : memref<10240xf32, #tpu.memory_space<vmem>>[vector<16xi32>], vector<16xf32>,
        %get3A_205 = arith.index_cast %add3A_201 : i32 to index
        %get3A_206 = arith.constant 16 : index
        %get3A_207 = tpu.vector_load %arg8[%get3A_205, %get3A_206] {strides = array<i32>} : memref<8x128xi32, #tpu.memory_space<vmem>>, vector<16xi32>,
        tpu.vector_store_idx %arg14[%get3A_207], %broadcast_in_dim3A_29 {add = true} : memref<10240xf32, #tpu.memory_space<vmem>>[vector<16xi32>], vector<16xf32>,
        %get3A_208 = arith.index_cast %add3A_201 : i32 to index
        %get3A_209 = arith.constant 32 : index
        %get3A_210 = tpu.vector_load %arg8[%get3A_208, %get3A_209] {strides = array<i32>} : memref<8x128xi32, #tpu.memory_space<vmem>>, vector<16xi32>,
        tpu.vector_store_idx %arg14[%get3A_210], %broadcast_in_dim3A_29 {add = true} : memref<10240xf32, #tpu.memory_space<vmem>>[vector<16xi32>], vector<16xf32>,
        %get3A_211 = arith.index_cast %add3A_201 : i32 to index
        %get3A_212 = arith.constant 48 : index
        %get3A_213 = tpu.vector_load %arg8[%get3A_211, %get3A_212] {strides = array<i32>} : memref<8x128xi32, #tpu.memory_space<vmem>>, vector<16xi32>,
        tpu.vector_store_idx %arg14[%get3A_213], %broadcast_in_dim3A_29 {add = true} : memref<10240xf32, #tpu.memory_space<vmem>>[vector<16xi32>], vector<16xf32>,
        %get3A_214 = arith.index_cast %add3A_201 : i32 to index
        %get3A_215 = arith.constant 64 : index
        %get3A_216 = tpu.vector_load %arg8[%get3A_214, %get3A_215] {strides = array<i32>} : memref<8x128xi32, #tpu.memory_space<vmem>>, vector<16xi32>,
        tpu.vector_store_idx %arg14[%get3A_216], %broadcast_in_dim3A_29 {add = true} : memref<10240xf32, #tpu.memory_space<vmem>>[vector<16xi32>], vector<16xf32>,
        %get3A_217 = arith.index_cast %add3A_201 : i32 to index
        %get3A_218 = arith.constant 80 : index
        %get3A_219 = tpu.vector_load %arg8[%get3A_217, %get3A_218] {strides = array<i32>} : memref<8x128xi32, #tpu.memory_space<vmem>>, vector<16xi32>,
        tpu.vector_store_idx %arg14[%get3A_219], %broadcast_in_dim3A_29 {add = true} : memref<10240xf32, #tpu.memory_space<vmem>>[vector<16xi32>], vector<16xf32>,
        %get3A_220 = arith.index_cast %add3A_201 : i32 to index
        %get3A_221 = arith.constant 96 : index
        %get3A_222 = tpu.vector_load %arg8[%get3A_220, %get3A_221] {strides = array<i32>} : memref<8x128xi32, #tpu.memory_space<vmem>>, vector<16xi32>,
        tpu.vector_store_idx %arg14[%get3A_222], %broadcast_in_dim3A_29 {add = true} : memref<10240xf32, #tpu.memory_space<vmem>>[vector<16xi32>], vector<16xf32>,
        %get3A_223 = arith.index_cast %add3A_201 : i32 to index
        %get3A_224 = arith.constant 112 : index
        %get3A_225 = tpu.vector_load %arg8[%get3A_223, %get3A_224] {strides = array<i32>} : memref<8x128xi32, #tpu.memory_space<vmem>>, vector<16xi32>,
        tpu.vector_store_idx %arg14[%get3A_225], %broadcast_in_dim3A_29 {add = true} : memref<10240xf32, #tpu.memory_space<vmem>>[vector<16xi32>], vector<16xf32>,
        %dma_wait3A_226 = arith.constant 0 : i32
        %dma_wait3A_227 = arith.constant 0 : i32
        %dma_wait3A_228 = tpu.memref_slice %arg2[%dma_wait3A_226, %dma_wait3A_227] : memref<10000x128xbf16, #tpu.memory_space<hbm>> -> memref<128x128xbf16, #tpu.memory_space<hbm>>
        %dma_wait3A_229 = arith.constant 0 : i32
        %dma_wait3A_230 = arith.constant 0 : i32
        %dma_wait3A_231 = tpu.memref_slice %arg2[%dma_wait3A_229, %dma_wait3A_230] : memref<10000x128xbf16, #tpu.memory_space<hbm>> -> memref<128x128xbf16, #tpu.memory_space<hbm>>
        tpu.wait_dma2 semaphore(%arg18 : memref<!tpu.dma_semaphore, #tpu.memory_space<semaphore_mem>>) src(%dma_wait3A_231 : memref<128x128xbf16, #tpu.memory_space<hbm>>) dst(%arg12 : memref<128x128xbf16, #tpu.memory_space<vmem>>)
        %dma_wait3A_232 = arith.constant 0 : i32
        %dma_wait3A_233 = arith.constant 0 : i32
        %dma_wait3A_234 = tpu.memref_slice %arg3[%dma_wait3A_232, %dma_wait3A_233] : memref<10000x128xbf16, #tpu.memory_space<hbm>> -> memref<128x128xbf16, #tpu.memory_space<hbm>>
        %dma_wait3A_235 = arith.constant 0 : i32
        %dma_wait3A_236 = arith.constant 0 : i32
        %dma_wait3A_237 = tpu.memref_slice %arg3[%dma_wait3A_235, %dma_wait3A_236] : memref<10000x128xbf16, #tpu.memory_space<hbm>> -> memref<128x128xbf16, #tpu.memory_space<hbm>>
        tpu.wait_dma2 semaphore(%arg19 : memref<!tpu.dma_semaphore, #tpu.memory_space<semaphore_mem>>) src(%dma_wait3A_237 : memref<128x128xbf16, #tpu.memory_space<hbm>>) dst(%arg13 : memref<128x128xbf16, #tpu.memory_space<vmem>>)
        %scan3A_238 = arith.constant 0 : i32
        %scan3A_239 = arith.constant 0 : i32
        %scan3A_240 = arith.constant 128 : i32
        %scan3A_241 = arith.addi %scan3A_239, %scan3A_240 : i32
        %scan3A_242 = arith.constant 1 : i32
        scf.for %scan3A_250 = %scan3A_239 to %scan3A_241 step %scan3A_242  : i32 {
          %get3A_251 = arith.index_cast %scan3A_250 : i32 to index
          %get3A_252 = arith.constant 0 : index
          %get3A_253 = tpu.vector_load %arg12[%get3A_251, %get3A_252] {strides = array<i32>} : memref<128x128xbf16, #tpu.memory_space<vmem>>, vector<32xbf16>,
          %get3A_254 = arith.index_cast %scan3A_250 : i32 to index
          %get3A_255 = arith.constant 0 : index
          %get3A_256 = tpu.vector_load %arg13[%get3A_254, %get3A_255] {strides = array<i32>} : memref<128x128xbf16, #tpu.memory_space<vmem>>, vector<32xbf16>,
          %sub3A_257 = arith.subf %get3A_253, %get3A_256 : vector<32xbf16>
          %max3A_258 = arith.constant 0.000000e+00 : bf16
          %max3A_259 = vector.broadcast %max3A_258 : bf16 to vector<32xbf16>
          %max3A_260 = arith.maximumf %sub3A_257, %max3A_259 : vector<32xbf16>
          %swap3A = arith.index_cast %scan3A_250 : i32 to index
          %swap3A_261 = arith.constant 0 : index
          %swap3A_262 = tpu.vector_load %arg12[%swap3A, %swap3A_261] {strides = array<i32>} : memref<128x128xbf16, #tpu.memory_space<vmem>>, vector<32xbf16>,
          tpu.vector_store %arg12[%swap3A, %swap3A_261], %max3A_260 {strides = array<i32>} : memref<128x128xbf16, #tpu.memory_space<vmem>>, vector<32xbf16>,
          %get3A_263 = arith.index_cast %scan3A_250 : i32 to index
          %get3A_264 = arith.constant 32 : index
          %get3A_265 = tpu.vector_load %arg12[%get3A_263, %get3A_264] {strides = array<i32>} : memref<128x128xbf16, #tpu.memory_space<vmem>>, vector<32xbf16>,
          %get3A_266 = arith.index_cast %scan3A_250 : i32 to index
          %get3A_267 = arith.constant 32 : index
          %get3A_268 = tpu.vector_load %arg13[%get3A_266, %get3A_267] {strides = array<i32>} : memref<128x128xbf16, #tpu.memory_space<vmem>>, vector<32xbf16>,
          %sub3A_269 = arith.subf %get3A_265, %get3A_268 : vector<32xbf16>
          %max3A_270 = arith.constant 0.000000e+00 : bf16
          %max3A_271 = vector.broadcast %max3A_270 : bf16 to vector<32xbf16>
          %max3A_272 = arith.maximumf %sub3A_269, %max3A_271 : vector<32xbf16>
          %swap3A_273 = arith.index_cast %scan3A_250 : i32 to index
          %swap3A_274 = arith.constant 32 : index
          %swap3A_275 = tpu.vector_load %arg12[%swap3A_273, %swap3A_274] {strides = array<i32>} : memref<128x128xbf16, #tpu.memory_space<vmem>>, vector<32xbf16>,
          tpu.vector_store %arg12[%swap3A_273, %swap3A_274], %max3A_272 {strides = array<i32>} : memref<128x128xbf16, #tpu.memory_space<vmem>>, vector<32xbf16>,
          %get3A_276 = arith.index_cast %scan3A_250 : i32 to index
          %get3A_277 = arith.constant 64 : index
          %get3A_278 = tpu.vector_load %arg12[%get3A_276, %get3A_277] {strides = array<i32>} : memref<128x128xbf16, #tpu.memory_space<vmem>>, vector<32xbf16>,
          %get3A_279 = arith.index_cast %scan3A_250 : i32 to index
          %get3A_280 = arith.constant 64 : index
          %get3A_281 = tpu.vector_load %arg13[%get3A_279, %get3A_280] {strides = array<i32>} : memref<128x128xbf16, #tpu.memory_space<vmem>>, vector<32xbf16>,
          %sub3A_282 = arith.subf %get3A_278, %get3A_281 : vector<32xbf16>
          %max3A_283 = arith.constant 0.000000e+00 : bf16
          %max3A_284 = vector.broadcast %max3A_283 : bf16 to vector<32xbf16>
          %max3A_285 = arith.maximumf %sub3A_282, %max3A_284 : vector<32xbf16>
          %swap3A_286 = arith.index_cast %scan3A_250 : i32 to index
          %swap3A_287 = arith.constant 64 : index
          %swap3A_288 = tpu.vector_load %arg12[%swap3A_286, %swap3A_287] {strides = array<i32>} : memref<128x128xbf16, #tpu.memory_space<vmem>>, vector<32xbf16>,
          tpu.vector_store %arg12[%swap3A_286, %swap3A_287], %max3A_285 {strides = array<i32>} : memref<128x128xbf16, #tpu.memory_space<vmem>>, vector<32xbf16>,
          %get3A_289 = arith.index_cast %scan3A_250 : i32 to index
          %get3A_290 = arith.constant 96 : index
          %get3A_291 = tpu.vector_load %arg12[%get3A_289, %get3A_290] {strides = array<i32>} : memref<128x128xbf16, #tpu.memory_space<vmem>>, vector<32xbf16>,
          %get3A_292 = arith.index_cast %scan3A_250 : i32 to index
          %get3A_293 = arith.constant 96 : index
          %get3A_294 = tpu.vector_load %arg13[%get3A_292, %get3A_293] {strides = array<i32>} : memref<128x128xbf16, #tpu.memory_space<vmem>>, vector<32xbf16>,
          %sub3A_295 = arith.subf %get3A_291, %get3A_294 : vector<32xbf16>
          %max3A_296 = arith.constant 0.000000e+00 : bf16
          %max3A_297 = vector.broadcast %max3A_296 : bf16 to vector<32xbf16>
          %max3A_298 = arith.maximumf %sub3A_295, %max3A_297 : vector<32xbf16>
          %swap3A_299 = arith.index_cast %scan3A_250 : i32 to index
          %swap3A_300 = arith.constant 96 : index
          %swap3A_301 = tpu.vector_load %arg12[%swap3A_299, %swap3A_300] {strides = array<i32>} : memref<128x128xbf16, #tpu.memory_space<vmem>>, vector<32xbf16>,
          tpu.vector_store %arg12[%swap3A_299, %swap3A_300], %max3A_298 {strides = array<i32>} : memref<128x128xbf16, #tpu.memory_space<vmem>>, vector<32xbf16>,
        }
        %scan3A_243 = arith.constant 128 : i32
        %dma_start3A_244 = arith.constant 0 : i32
        %dma_start3A_245 = tpu.memref_slice %arg8[%add3A_201, %dma_start3A_244] : memref<8x128xi32, #tpu.memory_space<vmem>> -> memref<1x128xi32, #tpu.memory_space<vmem>>
        %dma_start3A_246 = tpu.memref_squeeze %dma_start3A_245 : memref<1x128xi32, #tpu.memory_space<vmem>> -> memref<128xi32, #tpu.memory_space<vmem>>
        %dma_start3A_247 = arith.constant 0 : i32
        %dma_start3A_248 = arith.constant 0 : i32
        %dma_start3A_249 = tpu.memref_slice %arg15[%dma_start3A_247, %dma_start3A_248] : memref<10240x128xbf16, #tpu.memory_space<vmem_shared>> -> memref<10240x128xbf16, #tpu.memory_space<vmem_shared>>
        tpu.enqueue_indirect_dma source(%arg12 : memref<128x128xbf16, #tpu.memory_space<vmem>>) target(%dma_start3A_249 : memref<10240x128xbf16, #tpu.memory_space<vmem_shared>>) offsets(%dma_start3A_246 : memref<128xi32, #tpu.memory_space<vmem>>) semaphore(%arg21 : memref<!tpu.dma_semaphore, #tpu.memory_space<semaphore_mem>>) {add = true}
      }
      %while3A_117 = arith.constant 1 : i32
      scf.for %while3A_129 = %while3A_115 to %while3A_111 step %while3A_117  : i32 {
        %mul3A_130 = arith.constant 2 : i32
        %mul3A_131 = arith.muli %mul3A_130, %while3A_129 : i32
        %gt3A = arith.constant 0 : i32
        %gt3A_132 = arith.cmpi sgt, %while3A_129, %gt3A : i32
        %convert_element_type3A = arith.extui %gt3A_132 : i1 to i32
        %cond3A = arith.constant 0 : i32
        %cond3A_133 = arith.cmpi ne, %convert_element_type3A, %cond3A : i32
        scf.if %cond3A_133 {
          %dma_wait3A_250 = arith.constant 0 : i32
          %dma_wait3A_251 = arith.constant 0 : i32
          %dma_wait3A_252 = tpu.memref_slice %arg15[%dma_wait3A_250, %dma_wait3A_251] : memref<10240x128xbf16, #tpu.memory_space<vmem_shared>> -> memref<128x128xbf16, #tpu.memory_space<vmem_shared>>
          %dma_wait3A_253 = arith.constant 0 : i32
          %dma_wait3A_254 = arith.constant 0 : i32
          %dma_wait3A_255 = tpu.memref_slice %arg15[%dma_wait3A_253, %dma_wait3A_254] : memref<10240x128xbf16, #tpu.memory_space<vmem_shared>> -> memref<128x128xbf16, #tpu.memory_space<vmem_shared>>
          tpu.wait_dma2 semaphore(%arg21 : memref<!tpu.dma_semaphore, #tpu.memory_space<semaphore_mem>>) src(%arg12 : memref<128x128xbf16, #tpu.memory_space<vmem>>) dst(%dma_wait3A_255 : memref<128x128xbf16, #tpu.memory_space<vmem_shared>>)
        } else {
        }
        %add3A_134 = arith.constant 1 : i32
        %add3A_135 = arith.addi %mul3A_131, %add3A_134 : i32
        %dma_start3A_136 = arith.constant 0 : i32
        %dma_start3A_137 = tpu.memref_slice %arg8[%add3A_135, %dma_start3A_136] : memref<8x128xi32, #tpu.memory_space<vmem>> -> memref<1x128xi32, #tpu.memory_space<vmem>>
        %dma_start3A_138 = tpu.memref_squeeze %dma_start3A_137 : memref<1x128xi32, #tpu.memory_space<vmem>> -> memref<128xi32, #tpu.memory_space<vmem>>
        %dma_start3A_139 = arith.constant 0 : i32
        %dma_start3A_140 = arith.constant 0 : i32
        %dma_start3A_141 = tpu.memref_slice %arg2[%dma_start3A_139, %dma_start3A_140] : memref<10000x128xbf16, #tpu.memory_space<hbm>> -> memref<10000x128xbf16, #tpu.memory_space<hbm>>
        tpu.enqueue_indirect_dma source(%dma_start3A_141 : memref<10000x128xbf16, #tpu.memory_space<hbm>>) target(%arg12 : memref<128x128xbf16, #tpu.memory_space<vmem>>) offsets(%dma_start3A_138 : memref<128xi32, #tpu.memory_space<vmem>>) semaphore(%arg18 : memref<!tpu.dma_semaphore, #tpu.memory_space<semaphore_mem>>)
        %dma_start3A_142 = arith.constant 0 : i32
        %dma_start3A_143 = tpu.memref_slice %arg9[%add3A_135, %dma_start3A_142] : memref<8x128xi32, #tpu.memory_space<vmem>> -> memref<1x128xi32, #tpu.memory_space<vmem>>
        %dma_start3A_144 = tpu.memref_squeeze %dma_start3A_143 : memref<1x128xi32, #tpu.memory_space<vmem>> -> memref<128xi32, #tpu.memory_space<vmem>>
        %dma_start3A_145 = arith.constant 0 : i32
        %dma_start3A_146 = arith.constant 0 : i32
        %dma_start3A_147 = tpu.memref_slice %arg3[%dma_start3A_145, %dma_start3A_146] : memref<10000x128xbf16, #tpu.memory_space<hbm>> -> memref<10000x128xbf16, #tpu.memory_space<hbm>>
        tpu.enqueue_indirect_dma source(%dma_start3A_147 : memref<10000x128xbf16, #tpu.memory_space<hbm>>) target(%arg13 : memref<128x128xbf16, #tpu.memory_space<vmem>>) offsets(%dma_start3A_144 : memref<128xi32, #tpu.memory_space<vmem>>) semaphore(%arg19 : memref<!tpu.dma_semaphore, #tpu.memory_space<semaphore_mem>>)
        %get3A = arith.index_cast %mul3A_131 : i32 to index
        %get3A_148 = arith.constant 0 : index
        %get3A_149 = tpu.vector_load %arg8[%get3A, %get3A_148] {strides = array<i32>} : memref<8x128xi32, #tpu.memory_space<vmem>>, vector<16xi32>,
        tpu.vector_store_idx %arg14[%get3A_149], %broadcast_in_dim3A_29 {add = true} : memref<10240xf32, #tpu.memory_space<vmem>>[vector<16xi32>], vector<16xf32>,
        %get3A_150 = arith.index_cast %mul3A_131 : i32 to index
        %get3A_151 = arith.constant 16 : index
        %get3A_152 = tpu.vector_load %arg8[%get3A_150, %get3A_151] {strides = array<i32>} : memref<8x128xi32, #tpu.memory_space<vmem>>, vector<16xi32>,
        tpu.vector_store_idx %arg14[%get3A_152], %broadcast_in_dim3A_29 {add = true} : memref<10240xf32, #tpu.memory_space<vmem>>[vector<16xi32>], vector<16xf32>,
        %get3A_153 = arith.index_cast %mul3A_131 : i32 to index
        %get3A_154 = arith.constant 32 : index
        %get3A_155 = tpu.vector_load %arg8[%get3A_153, %get3A_154] {strides = array<i32>} : memref<8x128xi32, #tpu.memory_space<vmem>>, vector<16xi32>,
        tpu.vector_store_idx %arg14[%get3A_155], %broadcast_in_dim3A_29 {add = true} : memref<10240xf32, #tpu.memory_space<vmem>>[vector<16xi32>], vector<16xf32>,
        %get3A_156 = arith.index_cast %mul3A_131 : i32 to index
        %get3A_157 = arith.constant 48 : index
        %get3A_158 = tpu.vector_load %arg8[%get3A_156, %get3A_157] {strides = array<i32>} : memref<8x128xi32, #tpu.memory_space<vmem>>, vector<16xi32>,
        tpu.vector_store_idx %arg14[%get3A_158], %broadcast_in_dim3A_29 {add = true} : memref<10240xf32, #tpu.memory_space<vmem>>[vector<16xi32>], vector<16xf32>,
        %get3A_159 = arith.index_cast %mul3A_131 : i32 to index
        %get3A_160 = arith.constant 64 : index
        %get3A_161 = tpu.vector_load %arg8[%get3A_159, %get3A_160] {strides = array<i32>} : memref<8x128xi32, #tpu.memory_space<vmem>>, vector<16xi32>,
        tpu.vector_store_idx %arg14[%get3A_161], %broadcast_in_dim3A_29 {add = true} : memref<10240xf32, #tpu.memory_space<vmem>>[vector<16xi32>], vector<16xf32>,
        %get3A_162 = arith.index_cast %mul3A_131 : i32 to index
        %get3A_163 = arith.constant 80 : index
        %get3A_164 = tpu.vector_load %arg8[%get3A_162, %get3A_163] {strides = array<i32>} : memref<8x128xi32, #tpu.memory_space<vmem>>, vector<16xi32>,
        tpu.vector_store_idx %arg14[%get3A_164], %broadcast_in_dim3A_29 {add = true} : memref<10240xf32, #tpu.memory_space<vmem>>[vector<16xi32>], vector<16xf32>,
        %get3A_165 = arith.index_cast %mul3A_131 : i32 to index
        %get3A_166 = arith.constant 96 : index
        %get3A_167 = tpu.vector_load %arg8[%get3A_165, %get3A_166] {strides = array<i32>} : memref<8x128xi32, #tpu.memory_space<vmem>>, vector<16xi32>,
        tpu.vector_store_idx %arg14[%get3A_167], %broadcast_in_dim3A_29 {add = true} : memref<10240xf32, #tpu.memory_space<vmem>>[vector<16xi32>], vector<16xf32>,
        %get3A_168 = arith.index_cast %mul3A_131 : i32 to index
        %get3A_169 = arith.constant 112 : index
        %get3A_170 = tpu.vector_load %arg8[%get3A_168, %get3A_169] {strides = array<i32>} : memref<8x128xi32, #tpu.memory_space<vmem>>, vector<16xi32>,
        tpu.vector_store_idx %arg14[%get3A_170], %broadcast_in_dim3A_29 {add = true} : memref<10240xf32, #tpu.memory_space<vmem>>[vector<16xi32>], vector<16xf32>,
        %dma_wait3A_171 = arith.constant 0 : i32
        %dma_wait3A_172 = arith.constant 0 : i32
        %dma_wait3A_173 = tpu.memref_slice %arg2[%dma_wait3A_171, %dma_wait3A_172] : memref<10000x128xbf16, #tpu.memory_space<hbm>> -> memref<128x128xbf16, #tpu.memory_space<hbm>>
        %dma_wait3A_174 = arith.constant 0 : i32
        %dma_wait3A_175 = arith.constant 0 : i32
        %dma_wait3A_176 = tpu.memref_slice %arg2[%dma_wait3A_174, %dma_wait3A_175] : memref<10000x128xbf16, #tpu.memory_space<hbm>> -> memref<128x128xbf16, #tpu.memory_space<hbm>>
        tpu.wait_dma2 semaphore(%arg16 : memref<!tpu.dma_semaphore, #tpu.memory_space<semaphore_mem>>) src(%dma_wait3A_176 : memref<128x128xbf16, #tpu.memory_space<hbm>>) dst(%arg10 : memref<128x128xbf16, #tpu.memory_space<vmem>>)
        %dma_wait3A_177 = arith.constant 0 : i32
        %dma_wait3A_178 = arith.constant 0 : i32
        %dma_wait3A_179 = tpu.memref_slice %arg3[%dma_wait3A_177, %dma_wait3A_178] : memref<10000x128xbf16, #tpu.memory_space<hbm>> -> memref<128x128xbf16, #tpu.memory_space<hbm>>
        %dma_wait3A_180 = arith.constant 0 : i32
        %dma_wait3A_181 = arith.constant 0 : i32
        %dma_wait3A_182 = tpu.memref_slice %arg3[%dma_wait3A_180, %dma_wait3A_181] : memref<10000x128xbf16, #tpu.memory_space<hbm>> -> memref<128x128xbf16, #tpu.memory_space<hbm>>
        tpu.wait_dma2 semaphore(%arg17 : memref<!tpu.dma_semaphore, #tpu.memory_space<semaphore_mem>>) src(%dma_wait3A_182 : memref<128x128xbf16, #tpu.memory_space<hbm>>) dst(%arg11 : memref<128x128xbf16, #tpu.memory_space<vmem>>)
        %scan3A_183 = arith.constant 0 : i32
        %scan3A_184 = arith.constant 0 : i32
        %scan3A_185 = arith.constant 128 : i32
        %scan3A_186 = arith.addi %scan3A_184, %scan3A_185 : i32
        %scan3A_187 = arith.constant 1 : i32
        scf.for %scan3A_250 = %scan3A_184 to %scan3A_186 step %scan3A_187  : i32 {
          %get3A_251 = arith.index_cast %scan3A_250 : i32 to index
          %get3A_252 = arith.constant 0 : index
          %get3A_253 = tpu.vector_load %arg10[%get3A_251, %get3A_252] {strides = array<i32>} : memref<128x128xbf16, #tpu.memory_space<vmem>>, vector<32xbf16>,
          %get3A_254 = arith.index_cast %scan3A_250 : i32 to index
          %get3A_255 = arith.constant 0 : index
          %get3A_256 = tpu.vector_load %arg11[%get3A_254, %get3A_255] {strides = array<i32>} : memref<128x128xbf16, #tpu.memory_space<vmem>>, vector<32xbf16>,
          %sub3A_257 = arith.subf %get3A_253, %get3A_256 : vector<32xbf16>
          %max3A_258 = arith.constant 0.000000e+00 : bf16
          %max3A_259 = vector.broadcast %max3A_258 : bf16 to vector<32xbf16>
          %max3A_260 = arith.maximumf %sub3A_257, %max3A_259 : vector<32xbf16>
          %swap3A = arith.index_cast %scan3A_250 : i32 to index
          %swap3A_261 = arith.constant 0 : index
          %swap3A_262 = tpu.vector_load %arg10[%swap3A, %swap3A_261] {strides = array<i32>} : memref<128x128xbf16, #tpu.memory_space<vmem>>, vector<32xbf16>,
          tpu.vector_store %arg10[%swap3A, %swap3A_261], %max3A_260 {strides = array<i32>} : memref<128x128xbf16, #tpu.memory_space<vmem>>, vector<32xbf16>,
          %get3A_263 = arith.index_cast %scan3A_250 : i32 to index
          %get3A_264 = arith.constant 32 : index
          %get3A_265 = tpu.vector_load %arg10[%get3A_263, %get3A_264] {strides = array<i32>} : memref<128x128xbf16, #tpu.memory_space<vmem>>, vector<32xbf16>,
          %get3A_266 = arith.index_cast %scan3A_250 : i32 to index
          %get3A_267 = arith.constant 32 : index
          %get3A_268 = tpu.vector_load %arg11[%get3A_266, %get3A_267] {strides = array<i32>} : memref<128x128xbf16, #tpu.memory_space<vmem>>, vector<32xbf16>,
          %sub3A_269 = arith.subf %get3A_265, %get3A_268 : vector<32xbf16>
          %max3A_270 = arith.constant 0.000000e+00 : bf16
          %max3A_271 = vector.broadcast %max3A_270 : bf16 to vector<32xbf16>
          %max3A_272 = arith.maximumf %sub3A_269, %max3A_271 : vector<32xbf16>
          %swap3A_273 = arith.index_cast %scan3A_250 : i32 to index
          %swap3A_274 = arith.constant 32 : index
          %swap3A_275 = tpu.vector_load %arg10[%swap3A_273, %swap3A_274] {strides = array<i32>} : memref<128x128xbf16, #tpu.memory_space<vmem>>, vector<32xbf16>,
          tpu.vector_store %arg10[%swap3A_273, %swap3A_274], %max3A_272 {strides = array<i32>} : memref<128x128xbf16, #tpu.memory_space<vmem>>, vector<32xbf16>,
          %get3A_276 = arith.index_cast %scan3A_250 : i32 to index
          %get3A_277 = arith.constant 64 : index
          %get3A_278 = tpu.vector_load %arg10[%get3A_276, %get3A_277] {strides = array<i32>} : memref<128x128xbf16, #tpu.memory_space<vmem>>, vector<32xbf16>,
          %get3A_279 = arith.index_cast %scan3A_250 : i32 to index
          %get3A_280 = arith.constant 64 : index
          %get3A_281 = tpu.vector_load %arg11[%get3A_279, %get3A_280] {strides = array<i32>} : memref<128x128xbf16, #tpu.memory_space<vmem>>, vector<32xbf16>,
          %sub3A_282 = arith.subf %get3A_278, %get3A_281 : vector<32xbf16>
          %max3A_283 = arith.constant 0.000000e+00 : bf16
          %max3A_284 = vector.broadcast %max3A_283 : bf16 to vector<32xbf16>
          %max3A_285 = arith.maximumf %sub3A_282, %max3A_284 : vector<32xbf16>
          %swap3A_286 = arith.index_cast %scan3A_250 : i32 to index
          %swap3A_287 = arith.constant 64 : index
          %swap3A_288 = tpu.vector_load %arg10[%swap3A_286, %swap3A_287] {strides = array<i32>} : memref<128x128xbf16, #tpu.memory_space<vmem>>, vector<32xbf16>,
          tpu.vector_store %arg10[%swap3A_286, %swap3A_287], %max3A_285 {strides = array<i32>} : memref<128x128xbf16, #tpu.memory_space<vmem>>, vector<32xbf16>,
          %get3A_289 = arith.index_cast %scan3A_250 : i32 to index
          %get3A_290 = arith.constant 96 : index
          %get3A_291 = tpu.vector_load %arg10[%get3A_289, %get3A_290] {strides = array<i32>} : memref<128x128xbf16, #tpu.memory_space<vmem>>, vector<32xbf16>,
          %get3A_292 = arith.index_cast %scan3A_250 : i32 to index
          %get3A_293 = arith.constant 96 : index
          %get3A_294 = tpu.vector_load %arg11[%get3A_292, %get3A_293] {strides = array<i32>} : memref<128x128xbf16, #tpu.memory_space<vmem>>, vector<32xbf16>,
          %sub3A_295 = arith.subf %get3A_291, %get3A_294 : vector<32xbf16>
          %max3A_296 = arith.constant 0.000000e+00 : bf16
          %max3A_297 = vector.broadcast %max3A_296 : bf16 to vector<32xbf16>
          %max3A_298 = arith.maximumf %sub3A_295, %max3A_297 : vector<32xbf16>
          %swap3A_299 = arith.index_cast %scan3A_250 : i32 to index
          %swap3A_300 = arith.constant 96 : index
          %swap3A_301 = tpu.vector_load %arg10[%swap3A_299, %swap3A_300] {strides = array<i32>} : memref<128x128xbf16, #tpu.memory_space<vmem>>, vector<32xbf16>,
          tpu.vector_store %arg10[%swap3A_299, %swap3A_300], %max3A_298 {strides = array<i32>} : memref<128x128xbf16, #tpu.memory_space<vmem>>, vector<32xbf16>,
        }
        %scan3A_188 = arith.constant 128 : i32
        %dma_start3A_189 = arith.constant 0 : i32
        %dma_start3A_190 = tpu.memref_slice %arg8[%mul3A_131, %dma_start3A_189] : memref<8x128xi32, #tpu.memory_space<vmem>> -> memref<1x128xi32, #tpu.memory_space<vmem>>
        %dma_start3A_191 = tpu.memref_squeeze %dma_start3A_190 : memref<1x128xi32, #tpu.memory_space<vmem>> -> memref<128xi32, #tpu.memory_space<vmem>>
        %dma_start3A_192 = arith.constant 0 : i32
        %dma_start3A_193 = arith.constant 0 : i32
        %dma_start3A_194 = tpu.memref_slice %arg15[%dma_start3A_192, %dma_start3A_193] : memref<10240x128xbf16, #tpu.memory_space<vmem_shared>> -> memref<10240x128xbf16, #tpu.memory_space<vmem_shared>>
        tpu.enqueue_indirect_dma source(%arg10 : memref<128x128xbf16, #tpu.memory_space<vmem>>) target(%dma_start3A_194 : memref<10240x128xbf16, #tpu.memory_space<vmem_shared>>) offsets(%dma_start3A_191 : memref<128xi32, #tpu.memory_space<vmem>>) semaphore(%arg20 : memref<!tpu.dma_semaphore, #tpu.memory_space<semaphore_mem>>) {add = true}
        %add3A_195 = arith.constant 2 : i32
        %add3A_196 = arith.addi %mul3A_131, %add3A_195 : i32
        %lt3A = arith.cmpi slt, %add3A_196, %min3A_70 : i32
        %convert_element_type3A_197 = arith.extui %lt3A : i1 to i32
        %cond3A_198 = arith.constant 0 : i32
        %cond3A_199 = arith.cmpi ne, %convert_element_type3A_197, %cond3A_198 : i32
        scf.if %cond3A_199 {
          %dma_wait3A_250 = arith.constant 0 : i32
          %dma_wait3A_251 = arith.constant 0 : i32
          %dma_wait3A_252 = tpu.memref_slice %arg15[%dma_wait3A_250, %dma_wait3A_251] : memref<10240x128xbf16, #tpu.memory_space<vmem_shared>> -> memref<128x128xbf16, #tpu.memory_space<vmem_shared>>
          %dma_wait3A_253 = arith.constant 0 : i32
          %dma_wait3A_254 = arith.constant 0 : i32
          %dma_wait3A_255 = tpu.memref_slice %arg15[%dma_wait3A_253, %dma_wait3A_254] : memref<10240x128xbf16, #tpu.memory_space<vmem_shared>> -> memref<128x128xbf16, #tpu.memory_space<vmem_shared>>
          tpu.wait_dma2 semaphore(%arg20 : memref<!tpu.dma_semaphore, #tpu.memory_space<semaphore_mem>>) src(%arg10 : memref<128x128xbf16, #tpu.memory_space<vmem>>) dst(%dma_wait3A_255 : memref<128x128xbf16, #tpu.memory_space<vmem_shared>>)
          %add3A_256 = arith.constant 2 : i32
          %add3A_257 = arith.addi %mul3A_131, %add3A_256 : i32
          %dma_start3A_258 = arith.constant 0 : i32
          %dma_start3A_259 = tpu.memref_slice %arg8[%add3A_257, %dma_start3A_258] : memref<8x128xi32, #tpu.memory_space<vmem>> -> memref<1x128xi32, #tpu.memory_space<vmem>>
          %dma_start3A_260 = tpu.memref_squeeze %dma_start3A_259 : memref<1x128xi32, #tpu.memory_space<vmem>> -> memref<128xi32, #tpu.memory_space<vmem>>
          %dma_start3A_261 = arith.constant 0 : i32
          %dma_start3A_262 = arith.constant 0 : i32
          %dma_start3A_263 = tpu.memref_slice %arg2[%dma_start3A_261, %dma_start3A_262] : memref<10000x128xbf16, #tpu.memory_space<hbm>> -> memref<10000x128xbf16, #tpu.memory_space<hbm>>
          tpu.enqueue_indirect_dma source(%dma_start3A_263 : memref<10000x128xbf16, #tpu.memory_space<hbm>>) target(%arg10 : memref<128x128xbf16, #tpu.memory_space<vmem>>) offsets(%dma_start3A_260 : memref<128xi32, #tpu.memory_space<vmem>>) semaphore(%arg16 : memref<!tpu.dma_semaphore, #tpu.memory_space<semaphore_mem>>)
          %dma_start3A_264 = arith.constant 0 : i32
          %dma_start3A_265 = tpu.memref_slice %arg9[%add3A_257, %dma_start3A_264] : memref<8x128xi32, #tpu.memory_space<vmem>> -> memref<1x128xi32, #tpu.memory_space<vmem>>
          %dma_start3A_266 = tpu.memref_squeeze %dma_start3A_265 : memref<1x128xi32, #tpu.memory_space<vmem>> -> memref<128xi32, #tpu.memory_space<vmem>>
          %dma_start3A_267 = arith.constant 0 : i32
          %dma_start3A_268 = arith.constant 0 : i32
          %dma_start3A_269 = tpu.memref_slice %arg3[%dma_start3A_267, %dma_start3A_268] : memref<10000x128xbf16, #tpu.memory_space<hbm>> -> memref<10000x128xbf16, #tpu.memory_space<hbm>>
          tpu.enqueue_indirect_dma source(%dma_start3A_269 : memref<10000x128xbf16, #tpu.memory_space<hbm>>) target(%arg11 : memref<128x128xbf16, #tpu.memory_space<vmem>>) offsets(%dma_start3A_266 : memref<128xi32, #tpu.memory_space<vmem>>) semaphore(%arg17 : memref<!tpu.dma_semaphore, #tpu.memory_space<semaphore_mem>>)
        } else {
        }
        %add3A_200 = arith.constant 1 : i32
        %add3A_201 = arith.addi %mul3A_131, %add3A_200 : i32
        %get3A_202 = arith.index_cast %add3A_201 : i32 to index
        %get3A_203 = arith.constant 0 : index
        %get3A_204 = tpu.vector_load %arg8[%get3A_202, %get3A_203] {strides = array<i32>} : memref<8x128xi32, #tpu.memory_space<vmem>>, vector<16xi32>,
        tpu.vector_store_idx %arg14[%get3A_204], %broadcast_in_dim3A_29 {add = true} : memref<10240xf32, #tpu.memory_space<vmem>>[vector<16xi32>], vector<16xf32>,
        %get3A_205 = arith.index_cast %add3A_201 : i32 to index
        %get3A_206 = arith.constant 16 : index
        %get3A_207 = tpu.vector_load %arg8[%get3A_205, %get3A_206] {strides = array<i32>} : memref<8x128xi32, #tpu.memory_space<vmem>>, vector<16xi32>,
        tpu.vector_store_idx %arg14[%get3A_207], %broadcast_in_dim3A_29 {add = true} : memref<10240xf32, #tpu.memory_space<vmem>>[vector<16xi32>], vector<16xf32>,
        %get3A_208 = arith.index_cast %add3A_201 : i32 to index
        %get3A_209 = arith.constant 32 : index
        %get3A_210 = tpu.vector_load %arg8[%get3A_208, %get3A_209] {strides = array<i32>} : memref<8x128xi32, #tpu.memory_space<vmem>>, vector<16xi32>,
        tpu.vector_store_idx %arg14[%get3A_210], %broadcast_in_dim3A_29 {add = true} : memref<10240xf32, #tpu.memory_space<vmem>>[vector<16xi32>], vector<16xf32>,
        %get3A_211 = arith.index_cast %add3A_201 : i32 to index
        %get3A_212 = arith.constant 48 : index
        %get3A_213 = tpu.vector_load %arg8[%get3A_211, %get3A_212] {strides = array<i32>} : memref<8x128xi32, #tpu.memory_space<vmem>>, vector<16xi32>,
        tpu.vector_store_idx %arg14[%get3A_213], %broadcast_in_dim3A_29 {add = true} : memref<10240xf32, #tpu.memory_space<vmem>>[vector<16xi32>], vector<16xf32>,
        %get3A_214 = arith.index_cast %add3A_201 : i32 to index
        %get3A_215 = arith.constant 64 : index
        %get3A_216 = tpu.vector_load %arg8[%get3A_214, %get3A_215] {strides = array<i32>} : memref<8x128xi32, #tpu.memory_space<vmem>>, vector<16xi32>,
        tpu.vector_store_idx %arg14[%get3A_216], %broadcast_in_dim3A_29 {add = true} : memref<10240xf32, #tpu.memory_space<vmem>>[vector<16xi32>], vector<16xf32>,
        %get3A_217 = arith.index_cast %add3A_201 : i32 to index
        %get3A_218 = arith.constant 80 : index
        %get3A_219 = tpu.vector_load %arg8[%get3A_217, %get3A_218] {strides = array<i32>} : memref<8x128xi32, #tpu.memory_space<vmem>>, vector<16xi32>,
        tpu.vector_store_idx %arg14[%get3A_219], %broadcast_in_dim3A_29 {add = true} : memref<10240xf32, #tpu.memory_space<vmem>>[vector<16xi32>], vector<16xf32>,
        %get3A_220 = arith.index_cast %add3A_201 : i32 to index
        %get3A_221 = arith.constant 96 : index
        %get3A_222 = tpu.vector_load %arg8[%get3A_220, %get3A_221] {strides = array<i32>} : memref<8x128xi32, #tpu.memory_space<vmem>>, vector<16xi32>,
        tpu.vector_store_idx %arg14[%get3A_222], %broadcast_in_dim3A_29 {add = true} : memref<10240xf32, #tpu.memory_space<vmem>>[vector<16xi32>], vector<16xf32>,
        %get3A_223 = arith.index_cast %add3A_201 : i32 to index
        %get3A_224 = arith.constant 112 : index
        %get3A_225 = tpu.vector_load %arg8[%get3A_223, %get3A_224] {strides = array<i32>} : memref<8x128xi32, #tpu.memory_space<vmem>>, vector<16xi32>,
        tpu.vector_store_idx %arg14[%get3A_225], %broadcast_in_dim3A_29 {add = true} : memref<10240xf32, #tpu.memory_space<vmem>>[vector<16xi32>], vector<16xf32>,
        %dma_wait3A_226 = arith.constant 0 : i32
        %dma_wait3A_227 = arith.constant 0 : i32
        %dma_wait3A_228 = tpu.memref_slice %arg2[%dma_wait3A_226, %dma_wait3A_227] : memref<10000x128xbf16, #tpu.memory_space<hbm>> -> memref<128x128xbf16, #tpu.memory_space<hbm>>
        %dma_wait3A_229 = arith.constant 0 : i32
        %dma_wait3A_230 = arith.constant 0 : i32
        %dma_wait3A_231 = tpu.memref_slice %arg2[%dma_wait3A_229, %dma_wait3A_230] : memref<10000x128xbf16, #tpu.memory_space<hbm>> -> memref<128x128xbf16, #tpu.memory_space<hbm>>
        tpu.wait_dma2 semaphore(%arg18 : memref<!tpu.dma_semaphore, #tpu.memory_space<semaphore_mem>>) src(%dma_wait3A_231 : memref<128x128xbf16, #tpu.memory_space<hbm>>) dst(%arg12 : memref<128x128xbf16, #tpu.memory_space<vmem>>)
        %dma_wait3A_232 = arith.constant 0 : i32
        %dma_wait3A_233 = arith.constant 0 : i32
        %dma_wait3A_234 = tpu.memref_slice %arg3[%dma_wait3A_232, %dma_wait3A_233] : memref<10000x128xbf16, #tpu.memory_space<hbm>> -> memref<128x128xbf16, #tpu.memory_space<hbm>>
        %dma_wait3A_235 = arith.constant 0 : i32
        %dma_wait3A_236 = arith.constant 0 : i32
        %dma_wait3A_237 = tpu.memref_slice %arg3[%dma_wait3A_235, %dma_wait3A_236] : memref<10000x128xbf16, #tpu.memory_space<hbm>> -> memref<128x128xbf16, #tpu.memory_space<hbm>>
        tpu.wait_dma2 semaphore(%arg19 : memref<!tpu.dma_semaphore, #tpu.memory_space<semaphore_mem>>) src(%dma_wait3A_237 : memref<128x128xbf16, #tpu.memory_space<hbm>>) dst(%arg13 : memref<128x128xbf16, #tpu.memory_space<vmem>>)
        %scan3A_238 = arith.constant 0 : i32
        %scan3A_239 = arith.constant 0 : i32
        %scan3A_240 = arith.constant 128 : i32
        %scan3A_241 = arith.addi %scan3A_239, %scan3A_240 : i32
        %scan3A_242 = arith.constant 1 : i32
        scf.for %scan3A_250 = %scan3A_239 to %scan3A_241 step %scan3A_242  : i32 {
          %get3A_251 = arith.index_cast %scan3A_250 : i32 to index
          %get3A_252 = arith.constant 0 : index
          %get3A_253 = tpu.vector_load %arg12[%get3A_251, %get3A_252] {strides = array<i32>} : memref<128x128xbf16, #tpu.memory_space<vmem>>, vector<32xbf16>,
          %get3A_254 = arith.index_cast %scan3A_250 : i32 to index
          %get3A_255 = arith.constant 0 : index
          %get3A_256 = tpu.vector_load %arg13[%get3A_254, %get3A_255] {strides = array<i32>} : memref<128x128xbf16, #tpu.memory_space<vmem>>, vector<32xbf16>,
          %sub3A_257 = arith.subf %get3A_253, %get3A_256 : vector<32xbf16>
          %max3A_258 = arith.constant 0.000000e+00 : bf16
          %max3A_259 = vector.broadcast %max3A_258 : bf16 to vector<32xbf16>
          %max3A_260 = arith.maximumf %sub3A_257, %max3A_259 : vector<32xbf16>
          %swap3A = arith.index_cast %scan3A_250 : i32 to index
          %swap3A_261 = arith.constant 0 : index
          %swap3A_262 = tpu.vector_load %arg12[%swap3A, %swap3A_261] {strides = array<i32>} : memref<128x128xbf16, #tpu.memory_space<vmem>>, vector<32xbf16>,
          tpu.vector_store %arg12[%swap3A, %swap3A_261], %max3A_260 {strides = array<i32>} : memref<128x128xbf16, #tpu.memory_space<vmem>>, vector<32xbf16>,
          %get3A_263 = arith.index_cast %scan3A_250 : i32 to index
          %get3A_264 = arith.constant 32 : index
          %get3A_265 = tpu.vector_load %arg12[%get3A_263, %get3A_264] {strides = array<i32>} : memref<128x128xbf16, #tpu.memory_space<vmem>>, vector<32xbf16>,
          %get3A_266 = arith.index_cast %scan3A_250 : i32 to index
          %get3A_267 = arith.constant 32 : index
          %get3A_268 = tpu.vector_load %arg13[%get3A_266, %get3A_267] {strides = array<i32>} : memref<128x128xbf16, #tpu.memory_space<vmem>>, vector<32xbf16>,
          %sub3A_269 = arith.subf %get3A_265, %get3A_268 : vector<32xbf16>
          %max3A_270 = arith.constant 0.000000e+00 : bf16
          %max3A_271 = vector.broadcast %max3A_270 : bf16 to vector<32xbf16>
          %max3A_272 = arith.maximumf %sub3A_269, %max3A_271 : vector<32xbf16>
          %swap3A_273 = arith.index_cast %scan3A_250 : i32 to index
          %swap3A_274 = arith.constant 32 : index
          %swap3A_275 = tpu.vector_load %arg12[%swap3A_273, %swap3A_274] {strides = array<i32>} : memref<128x128xbf16, #tpu.memory_space<vmem>>, vector<32xbf16>,
          tpu.vector_store %arg12[%swap3A_273, %swap3A_274], %max3A_272 {strides = array<i32>} : memref<128x128xbf16, #tpu.memory_space<vmem>>, vector<32xbf16>,
          %get3A_276 = arith.index_cast %scan3A_250 : i32 to index
          %get3A_277 = arith.constant 64 : index
          %get3A_278 = tpu.vector_load %arg12[%get3A_276, %get3A_277] {strides = array<i32>} : memref<128x128xbf16, #tpu.memory_space<vmem>>, vector<32xbf16>,
          %get3A_279 = arith.index_cast %scan3A_250 : i32 to index
          %get3A_280 = arith.constant 64 : index
          %get3A_281 = tpu.vector_load %arg13[%get3A_279, %get3A_280] {strides = array<i32>} : memref<128x128xbf16, #tpu.memory_space<vmem>>, vector<32xbf16>,
          %sub3A_282 = arith.subf %get3A_278, %get3A_281 : vector<32xbf16>
          %max3A_283 = arith.constant 0.000000e+00 : bf16
          %max3A_284 = vector.broadcast %max3A_283 : bf16 to vector<32xbf16>
          %max3A_285 = arith.maximumf %sub3A_282, %max3A_284 : vector<32xbf16>
          %swap3A_286 = arith.index_cast %scan3A_250 : i32 to index
          %swap3A_287 = arith.constant 64 : index
          %swap3A_288 = tpu.vector_load %arg12[%swap3A_286, %swap3A_287] {strides = array<i32>} : memref<128x128xbf16, #tpu.memory_space<vmem>>, vector<32xbf16>,
          tpu.vector_store %arg12[%swap3A_286, %swap3A_287], %max3A_285 {strides = array<i32>} : memref<128x128xbf16, #tpu.memory_space<vmem>>, vector<32xbf16>,
          %get3A_289 = arith.index_cast %scan3A_250 : i32 to index
          %get3A_290 = arith.constant 96 : index
          %get3A_291 = tpu.vector_load %arg12[%get3A_289, %get3A_290] {strides = array<i32>} : memref<128x128xbf16, #tpu.memory_space<vmem>>, vector<32xbf16>,
          %get3A_292 = arith.index_cast %scan3A_250 : i32 to index
          %get3A_293 = arith.constant 96 : index
          %get3A_294 = tpu.vector_load %arg13[%get3A_292, %get3A_293] {strides = array<i32>} : memref<128x128xbf16, #tpu.memory_space<vmem>>, vector<32xbf16>,
          %sub3A_295 = arith.subf %get3A_291, %get3A_294 : vector<32xbf16>
          %max3A_296 = arith.constant 0.000000e+00 : bf16
          %max3A_297 = vector.broadcast %max3A_296 : bf16 to vector<32xbf16>
          %max3A_298 = arith.maximumf %sub3A_295, %max3A_297 : vector<32xbf16>
          %swap3A_299 = arith.index_cast %scan3A_250 : i32 to index
          %swap3A_300 = arith.constant 96 : index
          %swap3A_301 = tpu.vector_load %arg12[%swap3A_299, %swap3A_300] {strides = array<i32>} : memref<128x128xbf16, #tpu.memory_space<vmem>>, vector<32xbf16>,
          tpu.vector_store %arg12[%swap3A_299, %swap3A_300], %max3A_298 {strides = array<i32>} : memref<128x128xbf16, #tpu.memory_space<vmem>>, vector<32xbf16>,
        }
        %scan3A_243 = arith.constant 128 : i32
        %dma_start3A_244 = arith.constant 0 : i32
        %dma_start3A_245 = tpu.memref_slice %arg8[%add3A_201, %dma_start3A_244] : memref<8x128xi32, #tpu.memory_space<vmem>> -> memref<1x128xi32, #tpu.memory_space<vmem>>
        %dma_start3A_246 = tpu.memref_squeeze %dma_start3A_245 : memref<1x128xi32, #tpu.memory_space<vmem>> -> memref<128xi32, #tpu.memory_space<vmem>>
        %dma_start3A_247 = arith.constant 0 : i32
        %dma_start3A_248 = arith.constant 0 : i32
        %dma_start3A_249 = tpu.memref_slice %arg15[%dma_start3A_247, %dma_start3A_248] : memref<10240x128xbf16, #tpu.memory_space<vmem_shared>> -> memref<10240x128xbf16, #tpu.memory_space<vmem_shared>>
        tpu.enqueue_indirect_dma source(%arg12 : memref<128x128xbf16, #tpu.memory_space<vmem>>) target(%dma_start3A_249 : memref<10240x128xbf16, #tpu.memory_space<vmem_shared>>) offsets(%dma_start3A_246 : memref<128xi32, #tpu.memory_space<vmem>>) semaphore(%arg21 : memref<!tpu.dma_semaphore, #tpu.memory_space<semaphore_mem>>) {add = true}
      }
      %dma_wait3A = arith.constant 0 : i32
      %dma_wait3A_118 = arith.constant 0 : i32
      %dma_wait3A_119 = tpu.memref_slice %arg15[%dma_wait3A, %dma_wait3A_118] : memref<10240x128xbf16, #tpu.memory_space<vmem_shared>> -> memref<128x128xbf16, #tpu.memory_space<vmem_shared>>
      %dma_wait3A_120 = arith.constant 0 : i32
      %dma_wait3A_121 = arith.constant 0 : i32
      %dma_wait3A_122 = tpu.memref_slice %arg15[%dma_wait3A_120, %dma_wait3A_121] : memref<10240x128xbf16, #tpu.memory_space<vmem_shared>> -> memref<128x128xbf16, #tpu.memory_space<vmem_shared>>
      tpu.wait_dma2 semaphore(%arg20 : memref<!tpu.dma_semaphore, #tpu.memory_space<semaphore_mem>>) src(%arg10 : memref<128x128xbf16, #tpu.memory_space<vmem>>) dst(%dma_wait3A_122 : memref<128x128xbf16, #tpu.memory_space<vmem_shared>>)
      %dma_wait3A_123 = arith.constant 0 : i32
      %dma_wait3A_124 = arith.constant 0 : i32
      %dma_wait3A_125 = tpu.memref_slice %arg15[%dma_wait3A_123, %dma_wait3A_124] : memref<10240x128xbf16, #tpu.memory_space<vmem_shared>> -> memref<128x128xbf16, #tpu.memory_space<vmem_shared>>
      %dma_wait3A_126 = arith.constant 0 : i32
      %dma_wait3A_127 = arith.constant 0 : i32
      %dma_wait3A_128 = tpu.memref_slice %arg15[%dma_wait3A_126, %dma_wait3A_127] : memref<10240x128xbf16, #tpu.memory_space<vmem_shared>> -> memref<128x128xbf16, #tpu.memory_space<vmem_shared>>
      tpu.wait_dma2 semaphore(%arg21 : memref<!tpu.dma_semaphore, #tpu.memory_space<semaphore_mem>>) src(%arg12 : memref<128x128xbf16, #tpu.memory_space<vmem>>) dst(%dma_wait3A_128 : memref<128x128xbf16, #tpu.memory_space<vmem_shared>>)
    }
    "tpu.region"() ({
      %run_scoped3A = tpu.sem_alloc : memref<!tpu.dma_semaphore, #tpu.memory_space<semaphore_mem>>
      %dma_start3A = arith.constant 0 : i32
      %dma_start3A_59 = tpu.memref_slice %arg7[%add3A, %dma_start3A] : memref<32x10240xf32, #tpu.memory_space<hbm>> -> memref<1x10240xf32, #tpu.memory_space<hbm>>
      %dma_start3A_60 = tpu.memref_squeeze %dma_start3A_59 : memref<1x10240xf32, #tpu.memory_space<hbm>> -> memref<10240xf32, #tpu.memory_space<hbm>>
      %dma_start3A_61 = arith.constant 0 : i32
      %dma_start3A_62 = tpu.memref_slice %arg7[%add3A, %dma_start3A_61] : memref<32x10240xf32, #tpu.memory_space<hbm>> -> memref<1x10240xf32, #tpu.memory_space<hbm>>
      %dma_start3A_63 = tpu.memref_squeeze %dma_start3A_62 : memref<1x10240xf32, #tpu.memory_space<hbm>> -> memref<10240xf32, #tpu.memory_space<hbm>>
      tpu.enqueue_dma source(%arg14 : memref<10240xf32, #tpu.memory_space<vmem>>) target(%dma_start3A_63 : memref<10240xf32, #tpu.memory_space<hbm>>) target_semaphore(%run_scoped3A : memref<!tpu.dma_semaphore, #tpu.memory_space<semaphore_mem>>)
      %dma_wait3A = arith.constant 0 : i32
      %dma_wait3A_64 = tpu.memref_slice %arg7[%add3A, %dma_wait3A] : memref<32x10240xf32, #tpu.memory_space<hbm>> -> memref<1x10240xf32, #tpu.memory_space<hbm>>
      %dma_wait3A_65 = tpu.memref_squeeze %dma_wait3A_64 : memref<1x10240xf32, #tpu.memory_space<hbm>> -> memref<10240xf32, #tpu.memory_space<hbm>>
      %dma_wait3A_66 = arith.constant 0 : i32
      %dma_wait3A_67 = tpu.memref_slice %arg7[%add3A, %dma_wait3A_66] : memref<32x10240xf32, #tpu.memory_space<hbm>> -> memref<1x10240xf32, #tpu.memory_space<hbm>>
      %dma_wait3A_68 = tpu.memref_squeeze %dma_wait3A_67 : memref<1x10240xf32, #tpu.memory_space<hbm>> -> memref<10240xf32, #tpu.memory_space<hbm>>
      tpu.wait_dma2 semaphore(%run_scoped3A : memref<!tpu.dma_semaphore, #tpu.memory_space<semaphore_mem>>) src(%arg14 : memref<10240xf32, #tpu.memory_space<vmem>>) dst(%dma_wait3A_68 : memref<10240xf32, #tpu.memory_space<hbm>>)
      tpu.yield
    }) : () -> ()
    %barrier3A_58 = arith.constant 0 : index
    tpu.barrier barrier_id(%barrier3A_58)
    "tpu.region"() ({
      %run_scoped3A = tpu.sem_alloc : memref<!tpu.dma_semaphore, #tpu.memory_space<semaphore_mem>>
      %dma_start3A = arith.constant 0 : i32
      %dma_start3A_59 = tpu.memref_slice %arg6[%arg0, %mul3A_13, %dma_start3A] : memref<2x10240x128xbf16, #tpu.memory_space<hbm>> -> memref<1x640x128xbf16, #tpu.memory_space<hbm>>
      %dma_start3A_60 = tpu.memref_squeeze %dma_start3A_59 : memref<1x640x128xbf16, #tpu.memory_space<hbm>> -> memref<640x128xbf16, #tpu.memory_space<hbm>>
      %dma_start3A_61 = arith.constant 0 : i32
      %dma_start3A_62 = tpu.memref_slice %arg15[%mul3A_13, %dma_start3A_61] : memref<10240x128xbf16, #tpu.memory_space<vmem_shared>> -> memref<640x128xbf16, #tpu.memory_space<vmem_shared>>
      tpu.enqueue_dma source(%dma_start3A_62 : memref<640x128xbf16, #tpu.memory_space<vmem_shared>>) target(%dma_start3A_60 : memref<640x128xbf16, #tpu.memory_space<hbm>>) target_semaphore(%run_scoped3A : memref<!tpu.dma_semaphore, #tpu.memory_space<semaphore_mem>>)
      %dma_wait3A = arith.constant 0 : i32
      %dma_wait3A_63 = tpu.memref_slice %arg6[%arg0, %mul3A_13, %dma_wait3A] : memref<2x10240x128xbf16, #tpu.memory_space<hbm>> -> memref<1x640x128xbf16, #tpu.memory_space<hbm>>
      %dma_wait3A_64 = tpu.memref_squeeze %dma_wait3A_63 : memref<1x640x128xbf16, #tpu.memory_space<hbm>> -> memref<640x128xbf16, #tpu.memory_space<hbm>>
      %dma_wait3A_65 = arith.constant 0 : i32
      %dma_wait3A_66 = tpu.memref_slice %arg15[%mul3A_13, %dma_wait3A_65] : memref<10240x128xbf16, #tpu.memory_space<vmem_shared>> -> memref<640x128xbf16, #tpu.memory_space<vmem_shared>>
      tpu.wait_dma2 semaphore(%run_scoped3A : memref<!tpu.dma_semaphore, #tpu.memory_space<semaphore_mem>>) src(%dma_wait3A_66 : memref<640x128xbf16, #tpu.memory_space<vmem_shared>>) dst(%dma_wait3A_64 : memref<640x128xbf16, #tpu.memory_space<hbm>>)
      tpu.yield
    }) : () -> ()
    return
  }
}

module attributes {stable_mosaic.version = 14 : i64} {
  func.func @_pre_body(%arg0: i32, %arg1: memref<400x128xf32, #tpu.memory_space<vmem>>, %arg2: memref<128x128xf32, #tpu.memory_space<vmem>>, %arg3: memref<1x128xf32, #tpu.memory_space<vmem>>, %arg4: memref<400x128xbf16, #tpu.memory_space<vmem>>, %arg5: memref<400x128xbf16, #tpu.memory_space<vmem>>) attributes {dimension_semantics = [#tpu.dimension_semantics<arbitrary>], iteration_bounds = array<i64: 25>, scalar_prefetch = 0 : i64, scratch_operands = 0 : i64, tpu.core_type = #tpu.core_type<tc>, window_params = [{transform_indices = @transform_0, window_bounds = array<i64: 400, 128>}, {pipeline_mode = #tpu.pipeline_mode<synchronous>, transform_indices = @transform_1, window_bounds = array<i64: 128, 128>}, {pipeline_mode = #tpu.pipeline_mode<synchronous>, transform_indices = @transform_2, window_bounds = array<i64: 1, 128>}, {transform_indices = @transform_3, window_bounds = array<i64: 400, 128>}, {transform_indices = @transform_4, window_bounds = array<i64: 400, 128>}]} {
    %get3A = arith.constant 0 : index
    %get3A_0 = arith.constant 0 : index
    %get3A_1 = vector.load %arg1[%get3A, %get3A_0] : memref<400x128xf32, #tpu.memory_space<vmem>>, vector<400x128xf32>
    %get3A_2 = arith.constant 0 : index
    %get3A_3 = arith.constant 0 : index
    %get3A_4 = vector.load %arg2[%get3A_2, %get3A_3] : memref<128x128xf32, #tpu.memory_space<vmem>>, vector<128x128xf32>
    %dot_general3A = arith.constant dense<0.000000e+00> : vector<400x128xf32>
    %dot_general3A_5 = tpu.matmul %get3A_1, %get3A_4, %dot_general3A {dimension_numbers = #tpu.dot_dimension_numbers<[1], [0], [0], [1], [0, 0, 1, 1], [], []>, transpose_lhs_hint = false} : vector<400x128xf32>, vector<128x128xf32>, vector<400x128xf32> -> vector<400x128xf32>
    %convert_element_type3A = arith.truncf %dot_general3A_5 : vector<400x128xf32> to vector<400x128xbf16>
    %swap3A = arith.constant 0 : index
    %swap3A_6 = arith.constant 0 : index
    %swap3A_7 = vector.load %arg5[%swap3A, %swap3A_6] : memref<400x128xbf16, #tpu.memory_space<vmem>>, vector<400x128xbf16>
    tpu.vector_store %arg5[%swap3A, %swap3A_6], %convert_element_type3A {strides = array<i32>} : memref<400x128xbf16, #tpu.memory_space<vmem>>, vector<400x128xbf16>,
    %get3A_8 = arith.constant 0 : index
    %get3A_9 = arith.constant 0 : index
    %get3A_10 = vector.load %arg3[%get3A_8, %get3A_9] : memref<1x128xf32, #tpu.memory_space<vmem>>, vector<1x128xf32>
    %add3A = vector.broadcast %get3A_10 : vector<1x128xf32> to vector<400x128xf32>
    %add3A_11 = arith.addf %dot_general3A_5, %add3A : vector<400x128xf32>
    %convert_element_type3A_12 = arith.truncf %add3A_11 : vector<400x128xf32> to vector<400x128xbf16>
    %swap3A_13 = arith.constant 0 : index
    %swap3A_14 = arith.constant 0 : index
    %swap3A_15 = vector.load %arg4[%swap3A_13, %swap3A_14] : memref<400x128xbf16, #tpu.memory_space<vmem>>, vector<400x128xbf16>
    tpu.vector_store %arg4[%swap3A_13, %swap3A_14], %convert_element_type3A_12 {strides = array<i32>} : memref<400x128xbf16, #tpu.memory_space<vmem>>, vector<400x128xbf16>,
    return
  }
  func.func @transform_0(%arg0: i32) -> (i32, i32) {
    %c0_i32 = arith.constant 0 : i32
    %c0_i32_0 = arith.constant 0 : i32
    return %arg0, %c0_i32 : i32, i32
  }
  func.func @transform_1(%arg0: i32) -> (i32, i32) {
    %c0_i32 = arith.constant 0 : i32
    %c0_i32_0 = arith.constant 0 : i32
    %c0_i32_1 = arith.constant 0 : i32
    return %c0_i32, %c0_i32_0 : i32, i32
  }
  func.func @transform_2(%arg0: i32) -> (i32, i32) {
    %c0_i32 = arith.constant 0 : i32
    %c0_i32_0 = arith.constant 0 : i32
    %c0_i32_1 = arith.constant 0 : i32
    return %c0_i32, %c0_i32_0 : i32, i32
  }
  func.func @transform_3(%arg0: i32) -> (i32, i32) {
    %c0_i32 = arith.constant 0 : i32
    %c0_i32_0 = arith.constant 0 : i32
    return %arg0, %c0_i32 : i32, i32
  }
  func.func @transform_4(%arg0: i32) -> (i32, i32) {
    %c0_i32 = arith.constant 0 : i32
    %c0_i32_0 = arith.constant 0 : i32
    return %arg0, %c0_i32 : i32, i32
  }
}

module attributes {stable_mosaic.version = 14 : i64} {
  func.func @_post_body(%arg0: i32, %arg1: memref<1024x128xf32, #tpu.memory_space<vmem>>, %arg2: memref<2x1024x128xbf16, #tpu.memory_space<vmem>>, %arg3: memref<32x8x128xf32, #tpu.memory_space<vmem>>, %arg4: memref<128x128xf32, #tpu.memory_space<vmem>>, %arg5: memref<128x128xf32, #tpu.memory_space<vmem>>, %arg6: memref<128x128xf32, #tpu.memory_space<vmem>>, %arg7: memref<128x128xf32, #tpu.memory_space<vmem>>, %arg8: memref<1x128xf32, #tpu.memory_space<vmem>>, %arg9: memref<1x128xf32, #tpu.memory_space<vmem>>, %arg10: memref<1x128xf32, #tpu.memory_space<vmem>>, %arg11: memref<1024x128xf32, #tpu.memory_space<vmem>>) attributes {dimension_semantics = [#tpu.dimension_semantics<arbitrary>], iteration_bounds = array<i64: 10>, scalar_prefetch = 0 : i64, scratch_operands = 0 : i64, tpu.core_type = #tpu.core_type<tc>, window_params = [{transform_indices = @transform_0, window_bounds = array<i64: 1024, 128>}, {transform_indices = @transform_1, window_bounds = array<i64: 2, 1024, 128>}, {transform_indices = @transform_2, window_bounds = array<i64: 32, 8, 128>}, {pipeline_mode = #tpu.pipeline_mode<synchronous>, transform_indices = @transform_3, window_bounds = array<i64: 128, 128>}, {pipeline_mode = #tpu.pipeline_mode<synchronous>, transform_indices = @transform_4, window_bounds = array<i64: 128, 128>}, {pipeline_mode = #tpu.pipeline_mode<synchronous>, transform_indices = @transform_5, window_bounds = array<i64: 128, 128>}, {pipeline_mode = #tpu.pipeline_mode<synchronous>, transform_indices = @transform_6, window_bounds = array<i64: 128, 128>}, {pipeline_mode = #tpu.pipeline_mode<synchronous>, transform_indices = @transform_7, window_bounds = array<i64: 1, 128>}, {pipeline_mode = #tpu.pipeline_mode<synchronous>, transform_indices = @transform_8, window_bounds = array<i64: 1, 128>}, {pipeline_mode = #tpu.pipeline_mode<synchronous>, transform_indices = @transform_9, window_bounds = array<i64: 1, 128>}, {transform_indices = @transform_10, window_bounds = array<i64: 1024, 128>}]} {
    %get3A = arith.constant 0 : index
    %get3A_0 = arith.constant 0 : index
    %get3A_1 = arith.constant 0 : index
    %get3A_2 = vector.load %arg2[%get3A, %get3A_0, %get3A_1] : memref<2x1024x128xbf16, #tpu.memory_space<vmem>>, vector<1x1024x128xbf16>
    %get3A_3 = vector.shape_cast %get3A_2 : vector<1x1024x128xbf16> to vector<1024x128xbf16>
    %convert_element_type3A = arith.extf %get3A_3 : vector<1024x128xbf16> to vector<1024x128xf32>
    %get3A_4 = arith.constant 1 : index
    %get3A_5 = arith.constant 0 : index
    %get3A_6 = arith.constant 0 : index
    %get3A_7 = vector.load %arg2[%get3A_4, %get3A_5, %get3A_6] : memref<2x1024x128xbf16, #tpu.memory_space<vmem>>, vector<1x1024x128xbf16>
    %get3A_8 = vector.shape_cast %get3A_7 : vector<1x1024x128xbf16> to vector<1024x128xbf16>
    %convert_element_type3A_9 = arith.extf %get3A_8 : vector<1024x128xbf16> to vector<1024x128xf32>
    %add3A = arith.addf %convert_element_type3A, %convert_element_type3A_9 : vector<1024x128xf32>
    %get3A_10 = arith.constant 0 : index
    %get3A_11 = arith.constant 0 : index
    %get3A_12 = arith.constant 0 : index
    %get3A_13 = vector.load %arg3[%get3A_10, %get3A_11, %get3A_12] : memref<32x8x128xf32, #tpu.memory_space<vmem>>, vector<32x8x128xf32>
    %reduce_sum3A = arith.constant dense<0.000000e+00> : vector<8x128xf32>
    %reduce_sum3A_14 = vector.multi_reduction <add>, %get3A_13, %reduce_sum3A [0] : vector<32x8x128xf32> to vector<8x128xf32>
    %iota3A = tpu.iota {dimensions = array<i32: 0>} : vector<1024x8xi32>
    %jit3A = arith.constant 128 : i32
    %div3A = vector.broadcast %jit3A : i32 to vector<1024x8xi32>
    %div3A_15 = arith.divsi %iota3A, %div3A : vector<1024x8xi32>
    %sign3A = arith.constant 0 : i32
    %sign3A_16 = vector.broadcast %sign3A : i32 to vector<1024x8xi32>
    %sign3A_17 = arith.cmpi sgt, %iota3A, %sign3A_16 : vector<1024x8xi32>
    %sign3A_18 = arith.extui %sign3A_17 : vector<1024x8xi1> to vector<1024x8xi32>
    %sign3A_19 = arith.constant 0 : i32
    %sign3A_20 = vector.broadcast %sign3A_19 : i32 to vector<1024x8xi32>
    %sign3A_21 = arith.cmpi slt, %iota3A, %sign3A_20 : vector<1024x8xi32>
    %sign3A_22 = arith.extui %sign3A_21 : vector<1024x8xi1> to vector<1024x8xi32>
    %sign3A_23 = arith.subi %sign3A_18, %sign3A_22 : vector<1024x8xi32>
    %sign3A_24 = arith.constant 0 : i32
    %sign3A_25 = arith.cmpi sgt, %jit3A, %sign3A_24 : i32
    %sign3A_26 = arith.extui %sign3A_25 : i1 to i32
    %sign3A_27 = arith.constant 0 : i32
    %sign3A_28 = arith.cmpi slt, %jit3A, %sign3A_27 : i32
    %sign3A_29 = arith.extui %sign3A_28 : i1 to i32
    %sign3A_30 = arith.subi %sign3A_26, %sign3A_29 : i32
    %ne3A = vector.broadcast %sign3A_30 : i32 to vector<1024x8xi32>
    %ne3A_31 = arith.cmpi ne, %sign3A_23, %ne3A : vector<1024x8xi32>
    %rem3A = vector.broadcast %jit3A : i32 to vector<1024x8xi32>
    %rem3A_32 = arith.remsi %iota3A, %rem3A : vector<1024x8xi32>
    %ne3A_33 = arith.constant 0 : i32
    %ne3A_34 = vector.broadcast %ne3A_33 : i32 to vector<1024x8xi32>
    %ne3A_35 = arith.cmpi ne, %rem3A_32, %ne3A_34 : vector<1024x8xi32>
    %and3A = arith.andi %ne3A_31, %ne3A_35 : vector<1024x8xi1>
    %sub3A = arith.constant 1 : i32
    %sub3A_36 = vector.broadcast %sub3A : i32 to vector<1024x8xi32>
    %sub3A_37 = arith.subi %div3A_15, %sub3A_36 : vector<1024x8xi32>
    %select_n3A = arith.select %and3A, %sub3A_37, %div3A_15 : vector<1024x8xi1>, vector<1024x8xi32>
    %iota3A_38 = tpu.iota {dimensions = array<i32: 1>} : vector<1024x8xi32>
    %eq3A = arith.cmpi eq, %select_n3A, %iota3A_38 : vector<1024x8xi32>
    %convert_element_type3A_39 = arith.extui %eq3A : vector<1024x8xi1> to vector<1024x8xi32>
    %convert_element_type3A_40 = arith.sitofp %convert_element_type3A_39 : vector<1024x8xi32> to vector<1024x8xf32>
    %dot_general3A = arith.constant dense<0.000000e+00> : vector<1024x128xf32>
    %dot_general3A_41 = tpu.matmul %convert_element_type3A_40, %reduce_sum3A_14, %dot_general3A {dimension_numbers = #tpu.dot_dimension_numbers<[1], [0], [0], [1], [0, 0, 1, 1], [], []>, transpose_lhs_hint = false} : vector<1024x8xf32>, vector<8x128xf32>, vector<1024x128xf32> -> vector<1024x128xf32>
    %iota3A_42 = tpu.iota {dimensions = array<i32: 0>} : vector<1024x128xi32>
    %jit3A_43 = arith.constant 128 : i32
    %eq3A_44 = arith.constant 0 : i32
    %eq3A_45 = arith.cmpi eq, %jit3A_43, %eq3A_44 : i32
    %jit3A_46 = arith.constant 1 : i32
    %select_n3A_47 = arith.select %eq3A_45, %jit3A_46, %jit3A_43 : i32
    %rem3A_48 = vector.broadcast %select_n3A_47 : i32 to vector<1024x128xi32>
    %rem3A_49 = arith.remsi %iota3A_42, %rem3A_48 : vector<1024x128xi32>
    %ne3A_50 = arith.constant 0 : i32
    %ne3A_51 = vector.broadcast %ne3A_50 : i32 to vector<1024x128xi32>
    %ne3A_52 = arith.cmpi ne, %rem3A_49, %ne3A_51 : vector<1024x128xi32>
    %lt3A = arith.constant 0 : i32
    %lt3A_53 = vector.broadcast %lt3A : i32 to vector<1024x128xi32>
    %lt3A_54 = arith.cmpi slt, %rem3A_49, %lt3A_53 : vector<1024x128xi32>
    %lt3A_55 = arith.constant 0 : i32
    %lt3A_56 = arith.cmpi slt, %select_n3A_47, %lt3A_55 : i32
    %ne3A_57 = vector.broadcast %lt3A_56 : i1 to vector<1024x128xi1>
    %ne3A_58 = vector.broadcast %ne3A_57 : vector<1024x128xi1> to vector<1024x128xi1>
    %ne3A_59 = arith.xori %lt3A_54, %ne3A_58 : vector<1024x128xi1>
    %and3A_60 = arith.andi %ne3A_59, %ne3A_52 : vector<1024x128xi1>
    %add3A_61 = vector.broadcast %select_n3A_47 : i32 to vector<1024x128xi32>
    %add3A_62 = arith.addi %rem3A_49, %add3A_61 : vector<1024x128xi32>
    %select_n3A_63 = arith.select %and3A_60, %add3A_62, %rem3A_49 : vector<1024x128xi1>, vector<1024x128xi32>
    %iota3A_64 = tpu.iota {dimensions = array<i32: 1>} : vector<1024x128xi32>
    %eq3A_65 = arith.cmpi eq, %select_n3A_63, %iota3A_64 : vector<1024x128xi32>
    %convert_element_type3A_66 = arith.extui %eq3A_65 : vector<1024x128xi1> to vector<1024x128xi32>
    %convert_element_type3A_67 = arith.sitofp %convert_element_type3A_66 : vector<1024x128xi32> to vector<1024x128xf32>
    %mul3A = arith.mulf %dot_general3A_41, %convert_element_type3A_67 : vector<1024x128xf32>
    %broadcast_in_dim3A = arith.constant 1.000000e+00 : f32
    %broadcast_in_dim3A_68 = vector.broadcast %broadcast_in_dim3A : f32 to vector<128x128xf32>
    %dot_general3A_69 = arith.constant dense<0.000000e+00> : vector<1024x128xf32>
    %dot_general3A_70 = tpu.matmul %mul3A, %broadcast_in_dim3A_68, %dot_general3A_69 {dimension_numbers = #tpu.dot_dimension_numbers<[1], [0], [0], [1], [0, 0, 1, 1], [], []>, transpose_lhs_hint = false} : vector<1024x128xf32>, vector<128x128xf32>, vector<1024x128xf32> -> vector<1024x128xf32>
    %get3A_71 = arith.constant 0 : index
    %get3A_72 = arith.constant 0 : index
    %get3A_73 = vector.load %arg8[%get3A_71, %get3A_72] : memref<1x128xf32, #tpu.memory_space<vmem>>, vector<1x128xf32>
    %get3A_74 = arith.constant 0 : index
    %get3A_75 = arith.constant 0 : index
    %get3A_76 = vector.load %arg6[%get3A_74, %get3A_75] : memref<128x128xf32, #tpu.memory_space<vmem>>, vector<128x128xf32>
    %dot_general3A_77 = arith.constant dense<0.000000e+00> : vector<1x128xf32>
    %dot_general3A_78 = tpu.matmul %get3A_73, %get3A_76, %dot_general3A_77 {dimension_numbers = #tpu.dot_dimension_numbers<[1], [0], [0], [1], [0, 0, 1, 1], [], []>, transpose_lhs_hint = false} : vector<1x128xf32>, vector<128x128xf32>, vector<1x128xf32> -> vector<1x128xf32>
    %get3A_79 = arith.constant 0 : index
    %get3A_80 = arith.constant 0 : index
    %get3A_81 = vector.load %arg4[%get3A_79, %get3A_80] : memref<128x128xf32, #tpu.memory_space<vmem>>, vector<128x128xf32>
    %dot_general3A_82 = arith.constant dense<0.000000e+00> : vector<1024x128xf32>
    %dot_general3A_83 = tpu.matmul %add3A, %get3A_81, %dot_general3A_82 {dimension_numbers = #tpu.dot_dimension_numbers<[1], [0], [0], [1], [0, 0, 1, 1], [], []>, transpose_lhs_hint = false} : vector<1024x128xf32>, vector<128x128xf32>, vector<1024x128xf32> -> vector<1024x128xf32>
    %get3A_84 = arith.constant 0 : index
    %get3A_85 = arith.constant 0 : index
    %get3A_86 = vector.load %arg6[%get3A_84, %get3A_85] : memref<128x128xf32, #tpu.memory_space<vmem>>, vector<128x128xf32>
    %dot_general3A_87 = arith.constant dense<0.000000e+00> : vector<1024x128xf32>
    %dot_general3A_88 = tpu.matmul %dot_general3A_83, %get3A_86, %dot_general3A_87 {dimension_numbers = #tpu.dot_dimension_numbers<[1], [0], [0], [1], [0, 0, 1, 1], [], []>, transpose_lhs_hint = false} : vector<1024x128xf32>, vector<128x128xf32>, vector<1024x128xf32> -> vector<1024x128xf32>
    %mul3A_89 = vector.broadcast %dot_general3A_78 : vector<1x128xf32> to vector<1024x128xf32>
    %mul3A_90 = arith.mulf %dot_general3A_70, %mul3A_89 : vector<1024x128xf32>
    %add3A_91 = arith.addf %dot_general3A_88, %mul3A_90 : vector<1024x128xf32>
    %get3A_92 = arith.constant 0 : index
    %get3A_93 = arith.constant 0 : index
    %get3A_94 = vector.load %arg1[%get3A_92, %get3A_93] : memref<1024x128xf32, #tpu.memory_space<vmem>>, vector<1024x128xf32>
    %get3A_95 = arith.constant 0 : index
    %get3A_96 = arith.constant 0 : index
    %get3A_97 = vector.load %arg5[%get3A_95, %get3A_96] : memref<128x128xf32, #tpu.memory_space<vmem>>, vector<128x128xf32>
    %dot_general3A_98 = arith.constant dense<0.000000e+00> : vector<1024x128xf32>
    %dot_general3A_99 = tpu.matmul %get3A_94, %get3A_97, %dot_general3A_98 {dimension_numbers = #tpu.dot_dimension_numbers<[1], [0], [0], [1], [0, 0, 1, 1], [], []>, transpose_lhs_hint = false} : vector<1024x128xf32>, vector<128x128xf32>, vector<1024x128xf32> -> vector<1024x128xf32>
    %add3A_100 = arith.addf %dot_general3A_99, %add3A_91 : vector<1024x128xf32>
    %get3A_101 = arith.constant 0 : index
    %get3A_102 = arith.constant 0 : index
    %get3A_103 = vector.load %arg9[%get3A_101, %get3A_102] : memref<1x128xf32, #tpu.memory_space<vmem>>, vector<1x128xf32>
    %add3A_104 = vector.broadcast %get3A_103 : vector<1x128xf32> to vector<1024x128xf32>
    %add3A_105 = arith.addf %add3A_100, %add3A_104 : vector<1024x128xf32>
    %max3A = arith.constant 0.000000e+00 : f32
    %max3A_106 = vector.broadcast %max3A : f32 to vector<1024x128xf32>
    %max3A_107 = arith.maximumf %add3A_105, %max3A_106 : vector<1024x128xf32>
    %get3A_108 = arith.constant 0 : index
    %get3A_109 = arith.constant 0 : index
    %get3A_110 = vector.load %arg7[%get3A_108, %get3A_109] : memref<128x128xf32, #tpu.memory_space<vmem>>, vector<128x128xf32>
    %dot_general3A_111 = arith.constant dense<0.000000e+00> : vector<1024x128xf32>
    %dot_general3A_112 = tpu.matmul %max3A_107, %get3A_110, %dot_general3A_111 {dimension_numbers = #tpu.dot_dimension_numbers<[1], [0], [0], [1], [0, 0, 1, 1], [], []>, transpose_lhs_hint = false} : vector<1024x128xf32>, vector<128x128xf32>, vector<1024x128xf32> -> vector<1024x128xf32>
    %get3A_113 = arith.constant 0 : index
    %get3A_114 = arith.constant 0 : index
    %get3A_115 = vector.load %arg10[%get3A_113, %get3A_114] : memref<1x128xf32, #tpu.memory_space<vmem>>, vector<1x128xf32>
    %add3A_116 = vector.broadcast %get3A_115 : vector<1x128xf32> to vector<1024x128xf32>
    %add3A_117 = arith.addf %dot_general3A_112, %add3A_116 : vector<1024x128xf32>
    %swap3A = arith.constant 0 : index
    %swap3A_118 = arith.constant 0 : index
    %swap3A_119 = vector.load %arg11[%swap3A, %swap3A_118] : memref<1024x128xf32, #tpu.memory_space<vmem>>, vector<1024x128xf32>
    tpu.vector_store %arg11[%swap3A, %swap3A_118], %add3A_117 {strides = array<i32>} : memref<1024x128xf32, #tpu.memory_space<vmem>>, vector<1024x128xf32>,
    return
  }
  func.func @transform_0(%arg0: i32) -> (i32, i32) {
    %c0_i32 = arith.constant 0 : i32
    %c0_i32_0 = arith.constant 0 : i32
    return %arg0, %c0_i32 : i32, i32
  }
  func.func @transform_1(%arg0: i32) -> (i32, i32, i32) {
    %c0_i32 = arith.constant 0 : i32
    %c0_i32_0 = arith.constant 0 : i32
    %c0_i32_1 = arith.constant 0 : i32
    return %c0_i32, %arg0, %c0_i32_0 : i32, i32, i32
  }
  func.func @transform_2(%arg0: i32) -> (i32, i32, i32) {
    %c0_i32 = arith.constant 0 : i32
    %c0_i32_0 = arith.constant 0 : i32
    %c0_i32_1 = arith.constant 0 : i32
    return %c0_i32, %arg0, %c0_i32_0 : i32, i32, i32
  }
  func.func @transform_3(%arg0: i32) -> (i32, i32) {
    %c0_i32 = arith.constant 0 : i32
    %c0_i32_0 = arith.constant 0 : i32
    %c0_i32_1 = arith.constant 0 : i32
    return %c0_i32, %c0_i32_0 : i32, i32
  }
  func.func @transform_4(%arg0: i32) -> (i32, i32) {
    %c0_i32 = arith.constant 0 : i32
    %c0_i32_0 = arith.constant 0 : i32
    %c0_i32_1 = arith.constant 0 : i32
    return %c0_i32, %c0_i32_0 : i32, i32
  }
  func.func @transform_5(%arg0: i32) -> (i32, i32) {
    %c0_i32 = arith.constant 0 : i32
    %c0_i32_0 = arith.constant 0 : i32
    %c0_i32_1 = arith.constant 0 : i32
    return %c0_i32, %c0_i32_0 : i32, i32
  }
  func.func @transform_6(%arg0: i32) -> (i32, i32) {
    %c0_i32 = arith.constant 0 : i32
    %c0_i32_0 = arith.constant 0 : i32
    %c0_i32_1 = arith.constant 0 : i32
    return %c0_i32, %c0_i32_0 : i32, i32
  }
  func.func @transform_7(%arg0: i32) -> (i32, i32) {
    %c0_i32 = arith.constant 0 : i32
    %c0_i32_0 = arith.constant 0 : i32
    %c0_i32_1 = arith.constant 0 : i32
    return %c0_i32, %c0_i32_0 : i32, i32
  }
  func.func @transform_8(%arg0: i32) -> (i32, i32) {
    %c0_i32 = arith.constant 0 : i32
    %c0_i32_0 = arith.constant 0 : i32
    %c0_i32_1 = arith.constant 0 : i32
    return %c0_i32, %c0_i32_0 : i32, i32
  }
  func.func @transform_9(%arg0: i32) -> (i32, i32) {
    %c0_i32 = arith.constant 0 : i32
    %c0_i32_0 = arith.constant 0 : i32
    %c0_i32_1 = arith.constant 0 : i32
    return %c0_i32, %c0_i32_0 : i32, i32
  }
  func.func @transform_10(%arg0: i32) -> (i32, i32) {
    %c0_i32 = arith.constant 0 : i32
    %c0_i32_0 = arith.constant 0 : i32
    return %arg0, %c0_i32 : i32, i32
  }
}

</mosaic_0001>

<sc_bundles>
// kernel: kernel.5.cloned.1.call-start
scs
__scs_entry_jumppad:
0x0: {  	(pc) =	sbr.rel $0x88, $3  }
0x1: {  	(tag) =	ssettag $0x0;
	lr =	simm.s32 $0x1  }
0x2: {  	[smem:$0x3F97] =	sst lr;
	_ =	strace $0xD0000000  }
0x3: {  	_ = 	snop  }
0x4: {  	_ = 	snop  }
0x5: {  	_ = 	snop  }
0x6: {  	_ = 	snop  }
0x7: {  	_ = 	snop  }
__scs_overlays_trampoline_lowered:
0x8: {  	[smem:$0x3FA6] =	sst s0  }
0x9: {  	[smem:$0x3FA7] =	sst s1  }
0xa: {  	[smem:$0x3FA8] =	sst s2  }
0xb: {  	[smem:$0x3FA9] =	sst s3  }
0xc: {  	[smem:$0x3FAA] =	sst s4  }
0xd: {  	[smem:$0x3FAB] =	sst s5  }
0xe: {  	[smem:$0x3FAC] =	sst s6  }
0xf: {  	[smem:$0x3FAD] =	sst s7  }
0x10: {  	[smem:$0x3FAE] =	sst s8  }
0x11: {  	[smem:$0x3FAF] =	sst s9;
	s0 =	simm.s32 @!p0 $0x0  }
0x12: {  	s1 =	sld [smem:$0x3F95];
	s0 =	simm.s32 @p0 $0x1  }
0x13: {  	[smem:$0x3FB0] =	sst s0;
	s0 =	simm.s32 @!p1 $0x0  }
0x14: {  	s2 =	sld [smem:$0x3F94];
	s0 =	simm.s32 @p1 $0x1  }
0x15: {  	[smem:$0x3FB1] =	sst s0;
	s0 =	simm.s32 @!p2 $0x0  }
0x16: {  	s3 =	sld [smem:$0x3FDB];
	s0 =	simm.s32 @p2 $0x1  }
0x17: {  	s4 =	simm.s32 $0x1BF5;
	[smem:$0x3FB3] =	sst s0  }
0x18: {  	s0 =	sld [smem:$0x3F96];
	_ =	swait.ge [sflag:s4], $0x0  }
0x19: {  	s7 =	sld [smem:$0x3F97]  }
0x1a: {  	s8 =	sadd.s32 $0xFFFFE003, lr  }
0x1b: {  	s9 =	sadd.s32 $0xFFFFFEF7, lr;
	s5 =	simm.s32 $0xFFFFFFFF;
	p2 =	slt.u32 s8, $0xFFFFF086  }
0x1c: {  	p1 =	slt.u32 s9, $0xF7A;
	s5 =	simm.s32 @!p2 $0x0  }
0x1d: {  	s5 =	simm.s32 @p1 $0x1;
	p0 =	seq.s32 s7, s2  }
0x1e: {  	s7 =	smul.u32 @!p0 $0xF7A, s2;
	p2 =	seq.s32 @!p0 s5, $0x0  }
0x1f: {  	s9 =	smul.u32 $0xF7A, s1;
	s8 =	simm.s32 @!p0 $0x1BF5;
	p2 =	por !p2, p0  }
0x20: {  	[sflag:s8] =	ssyncset.s32 @!p0 $0xFFFFF086;
	s6 =	sadd.s32 @!p0 s3, s7;
	s7 =	simm.s32 @!p0 $0x108  }
0x21: {  	s3 =	sadd.s32 s3, s9;
	s6 =	sadd.s32 @!p0 $0x88, s6;
	s7 =	simm.s32 @p2 $0x1082  }
0x22: {  	[simem:s7], [sflag:s8] =	dma.local @!p0 [hbm:s6], $0xF7A  }
0x23: {  	s9 =	sor.u32 $0xD0000000, s2;
	s6 =	simm.s32 $0x108;
	_ =	swait.ge @!p0 [sflag:s8], $0x0  }
0x24: {  	s3 =	sadd.s32 $0x88, s3;
	s6 =	simm.s32 @!p1 $0x1082;
	[sflag:s4] =	ssyncset.s32 $0xFFFFF086  }
0x25: {  	[simem:s6], [sflag:s4] =	dma.local [hbm:s3], $0xF7A  }
0x26: {  	[smem:$0x3F97] =	sst s1;
	(tag) =	ssettag s2;
	_ =	strace s9  }
0x27: {  	s1 =	sld [smem:$0x3FA7]  }
0x28: {  	s2 =	sld [smem:$0x3FA8]  }
0x29: {  	s4 =	sld [smem:$0x3FAA]  }
0x2a: {  	p0 =	seq.s32 s5, $0x0;
	s5 =	sld [smem:$0x3FAB]  }
0x2b: {  	s6 =	sld [smem:$0x3FAC]  }
0x2c: {  	s7 =	sld [smem:$0x3FAD]  }
0x2d: {  	s3 =	simm.s32 $0x108;
	s8 =	sld [smem:$0x3FAE]  }
0x2e: {  	s3 =	simm.s32 @!p0 $0x1082;
	s9 =	sld [smem:$0x3FAF]  }
0x2f: {  	lr =	sadd.s32 s0, s3;
	s0 =	sld [smem:$0x3FA6]  }
0x30: {  	s3 =	sld [smem:$0x3FA9]  }
0x31: {  	[smem:$0x3FB2] =	sst s10  }
0x32: {  	s10 =	sld [smem:$0x3FB0];
	_ =	sdelay $0x3  }
0x33: {  	p0 =	seq.s32 s10, $0x1;
	s10 =	sld [smem:$0x3FB2];
	_ =	sdelay $0x3  }
0x34: {  	[smem:$0x3FB2] =	sst s10  }
0x35: {  	s10 =	sld [smem:$0x3FB1];
	_ =	sdelay $0x3  }
0x36: {  	p1 =	seq.s32 s10, $0x1;
	s10 =	sld [smem:$0x3FB2];
	_ =	sdelay $0x3  }
0x37: {  	[smem:$0x3FB2] =	sst s10  }
0x38: {  	s10 =	sld [smem:$0x3FB3]  }
0x39: {  	_ = 	snop;
	(pc) =	sbr.ind lr, $3  }
0x3a: {  	_ = 	snop  }
0x3b: {  	_ = 	snop  }
0x3c: {  	p2 =	seq.s32 s10, $0x1;
	s10 =	sld [smem:$0x3FB2]  }
0x3d: {  	_ =	shalt  }
0x3e: {  	_ =	shalt  }
0x3f: {  	_ =	shalt  }
0x40: {  	_ =	shalt  }
0x41: {  	_ =	shalt  }
0x42: {  	_ =	shalt  }
0x43: {  	_ =	shalt  }
0x44: {  	_ =	shalt  }
0x45: {  	_ =	shalt  }
0x46: {  	_ =	shalt  }
0x47: {  	_ =	shalt  }
0x48: {  	_ =	shalt  }
0x49: {  	_ =	shalt  }
0x4a: {  	_ =	shalt  }
0x4b: {  	_ =	shalt  }
0x4c: {  	_ =	shalt  }
0x4d: {  	_ =	shalt  }
0x4e: {  	_ =	shalt  }
0x4f: {  	_ =	shalt  }
0x50: {  	_ =	shalt  }
0x51: {  	_ =	shalt  }
0x52: {  	_ =	shalt  }
0x53: {  	_ =	shalt  }
0x54: {  	_ =	shalt  }
0x55: {  	_ =	shalt  }
0x56: {  	_ =	shalt  }
0x57: {  	_ =	shalt  }
0x58: {  	_ =	shalt  }
0x59: {  	_ =	shalt  }
0x5a: {  	_ =	shalt  }
0x5b: {  	_ =	shalt  }
0x5c: {  	_ =	shalt  }
0x5d: {  	_ =	shalt  }
0x5e: {  	_ =	shalt  }
0x5f: {  	_ =	shalt  }
0x60: {  	_ =	shalt  }
0x61: {  	_ =	shalt  }
0x62: {  	_ =	shalt  }
0x63: {  	_ =	shalt  }
0x64: {  	_ =	shalt  }
0x65: {  	_ =	shalt  }
0x66: {  	_ =	shalt  }
0x67: {  	_ =	shalt  }
0x68: {  	_ =	shalt  }
0x69: {  	_ =	shalt  }
0x6a: {  	_ =	shalt  }
0x6b: {  	_ =	shalt  }
0x6c: {  	_ =	shalt  }
0x6d: {  	_ =	shalt  }
0x6e: {  	_ =	shalt  }
0x6f: {  	_ =	shalt  }
0x70: {  	_ =	shalt  }
0x71: {  	_ =	shalt  }
0x72: {  	_ =	shalt  }
0x73: {  	_ =	shalt  }
0x74: {  	_ =	shalt  }
0x75: {  	_ =	shalt  }
0x76: {  	_ =	shalt  }
0x77: {  	_ =	shalt  }
0x78: {  	_ =	shalt  }
0x79: {  	_ =	shalt  }
0x7a: {  	_ =	shalt  }
0x7b: {  	_ =	shalt  }
0x7c: {  	_ =	shalt  }
0x7d: {  	_ =	shalt  }
0x7e: {  	_ =	shalt  }
0x7f: {  	_ =	shalt  }
0x80: {  	_ =	shalt  }
0x81: {  	_ =	shalt  }
0x82: {  	_ =	shalt  }
0x83: {  	_ =	shalt  }
0x84: {  	_ =	shalt  }
0x85: {  	_ =	shalt  }
0x86: {  	_ =	shalt  }
0x87: {  	_ =	shalt  }
.Lfunc_end0:
.L_simem_size_0:
called_computation_lowered:
.L_overlay_start_0:
0x88: {  	s2 =	sld [smem:$0x3FD9]  }
0x89: {  	s3 =	sld [smem:$0x3FFE];
	_ =	sdelay $0x1  }
0x8a: {  	s1 =	srdreg.scid  }
0x8b: {  	s0 =	sand.u32 $0x1, s1  }
0x8c: {  	s17 =	sshll.u32 s0, $0xA;
	s2 =	sadd.s32 s3, s2  }
0x8d: {  	s2 =	sadd.s32 s2, s17  }
0x8e: {  	[smem:$0x3FBE] =	sst s2  }
0x8f: {  	_ = 	snop  }
0x90: {  	s2 =	sld [smem:$0x3FD0];
	(tm) =	ssettm $0x1  }
0x91: {  	s18 =	sld [smem:$0x3FFB];
	_ =	sdelay $0x3  }
0x92: {  	_ =	strace s18  }
0x93: {  	s3 =	sld [smem:$0x3FFC];
	_ =	sdelay $0x3  }
0x94: {  	_ =	strace s3  }
0x95: {  	s3 =	sld [smem:$0x3FFD];
	_ =	sdelay $0x3  }
0x96: {  	_ =	strace s3  }
0x97: {  	_ =	strace $0x8FFFFFFF  }
0x98: {  	s19 =	sld [smem:$0x3FDB];
	_ =	sdelay $0x1  }
0x99: {  	s4 =	simm.s32 $_scs_section_size  }
0x9a: {  	s5 =	simm.s32 $_size__tile_overlayer_lowered;
	s6 =	simm.s32 $_tile_overlayer_lowered  }
0x9b: {  	s22 =	simm.s32 $0x1BFF;
	s21 =	sshll.u32 s6, $0x1;
	s3 =	sadd.s32 s4, s19  }
0x9c: {  	s7 =	simm.s32 $0x0;
	s20 =	sshll.u32 s5, $0x1;
	s5 =	sadd.s32 s21, s3  }
0x9d: {  	[timem:s7], [sflag:s22] =	dma.local [hbm:s5], s20  }
0x9e: {  	_ =	swait.ge [sflag:s22], s20  }
0x9f: {  	s4 =	ssub.s32 $0x0, s20;
	[sflag:s22] =	ssyncset.done $0x0  }
0xa0: {  	[sflag:s22] =	ssyncadd.s32 s4;
	_ =	sdelay $0x1  }
0xa1: {  	s23 =	simm.s32 $0x1B8B  }
0xa2: {  	_ =	swait.ge [sflag:s23], $0x1  }
0xa3: {  	[sflag:s23] =	ssyncset.done $0x0  }
0xa4: {  	s25 =	simm.s32 $0x1B8E;
	s24 =	sld [smem:$0x3FFE];
	[sflag:s23] =	ssyncadd.s32 $0xFFFFFFFF  }
0xa5: {  	s26 =	simm.s32 $execute0_lowered;
	[smem:$0x3FD2] =	sst s25  }
0xa6: {  	s5 =	sshll.u32 s26, $0x1;
	_ =	strace $0x80000046;
	[dreg:$0x1] =	wrdreg $0xFFFFFFFF  }
0xa7: {  	s28 =	simm.s32 $_size_execute0_lowered;
	s3 =	sadd.s32 s3, s5;
	[dreg:$0x0] =	wrdreg $0x0  }
0xa8: {  	s5 =	sshll.u32 s28, $0x1;
	[dreg:$0x2] =	wrdreg s3  }
0xa9: {  	[dreg:$0x3] =	wrdreg s5  }
0xaa: {  	[dreg:$0x4] =	wrdreg $0xC0  }
0xab: {  	_ =	task [dreg:s7], $0x5FFFF  }
0xac: {  	[dreg:$0x1] =	wrdreg $0xFFFFFFFF  }
0xad: {  	[dreg:$0x0] =	wrdreg $0x60  }
0xae: {  	[dreg:$0x2] =	wrdreg s2  }
0xaf: {  	[dreg:$0x3] =	wrdreg s24  }
0xb0: {  	[dreg:$0x4] =	wrdreg $0xB0000  }
0xb1: {  	[dreg:$0x5] =	wrdreg $0x9  }
0xb2: {  	_ =	task.clear_ibuf [dreg:s7], $0x6FFFF;
	_ =	strace $0x90000046  }
0xb3: {  	s29 =	simm.s32 $0x9;
	_ =	strace $0x80000048  }
0xb4: {  	_ =	swait.ge [sflag:s29], $0x1  }
0xb5: {  	[sflag:s29] =	ssyncadd.s32 $0xFFFFFFFF  }
0xb6: {  	_ =	strace $0x90000048  }
0xb7: {  	_ =	sfence  }
0xb8: {  	s30 =	sld [smem:$0x0];
	_ =	sdelay $0x2  }
0xb9: {  	s31 =	sshll.u32 s1, $0xD;
	s1 =	sshrl.u32 s1, $0x2  }
0xba: {  	s3 =	sand.u32 $0x4000, s31;
	s1 =	sadd.s32 s1, s30  }
0xbb: {  	s0 =	sor.u32 s3, s0;
	s1 =	sshll.u32 s1, $0x11  }
0xbc: {  	s0 =	sor.u32 s1, s0  }
0xbd: {  	s0 =	sadd.s32 $0x8F2B, s0  }
0xbe: {  	[sflag:s0] =	ssyncadd.remote.s32 $0x1  }
0xbf: {  	_ =	sfence.sel $0xFFFF  }
0xc0: {  	[dreg:$0x0] =	wrdreg $0xFFFFFFFF;
	(pc) =	sbr.abs _section_cstart, $3  }
0xc1: {  	[dreg:$0x1] =	wrdreg $0xFFFFFFFF  }
0xc2: {  	_ =	task.clear_ibuf [dreg:s7], $0x2FFFF;
	_ =	strace $0x9FFFFFFF  }
0xc3: {  	(tm) =	ssettm $0x7FFFFFFF  }
tec
execute0_lowered:
.L_overlay_start_1:
0x0: {  	(tag) =	ssettag $0x1  }
0x1: {  	s1 =	rddreg [dreg:$0x0]  }
0x2: {  	s0 =	rddreg [dreg:$0x1]  }
0x3: {  	s3 =	rddreg [dreg:$0x2]  }
0x4: {  	s2 =	srdreg.scid;
	s6 =	stileid.u32  }
0x5: {  	s5 =	simm.s32 $0x0;
	s28 =	simm.s32 $0x1;
	s29 =	simm.s32 $0x2  }
0x6: {  	s30 =	simm.s32 $0x3;
	s31 =	simm.s32 $0x4;
	s4 =	smul.u32 $0x14000, s6  }
0x7: {  	s2 =	sand.u32 $0x1, s2;
	[smem:$0x7FF] =	sst s5;
	s12 =	smul.u32 $0x28000, s6  }
0x8: {  	s5 =	sadd.s32 $0x2200, s0;
	s8 =	sshll.u32 s6, $0x1;
	s13 =	smul.u32 $0xFFFFFF60, s6  }
0x9: {  	s9 =	sadd.s32 $0x1FC00, s0;
	s6 =	simm.s32 $0x0;
	s7 =	smul.u32 $0x140000, s2  }
0xa: {  	s8 =	sor.u32 s2, s8;
	s11 =	ssub.s32 $0x2, s2;
	s2 =	smul.u32 $0xFFFFFFB0, s2  }
0xb: {  	_ =	strace $0x80000047;
	[dreg:$0x4] =	wrdreg s9;
	s10 =	smul.u32 $0x500, s8  }
0xc: {  	s18 =	sshrl.u32 s11, $0x1;
	s12 =	sshrl.u32 s12, $0x2;
	s17 =	sadd.s32 s4, s7  }
0xd: {  	s7 =	sadd.s32 $0x15C00, s0;
	s4 =	sshrl.u32 s4, $0x1;
	s11 =	ssub.s32 s11, s18  }
0xe: {  	s19 =	sadd.s32 s12, s3;
	s2 =	sadd.s32 s13, s2;
	s9 =	sshrl.u32 s17, $0x4  }
0xf: {  	s15 =	sadd.s32 s4, s3;
	s20 =	sadd.s32 $0x2000, s19;
	s21 =	sadd.s32 $0x4000, s19  }
0x10: {  	s22 =	sadd.s32 $0x6000, s19;
	s2 =	sadd.s32 $0x9C4, s2;
	[dreg:$0x6] =	wrdreg s20  }
0x11: {  	s4 =	sadd.s32 $0x8000, s19;
	s26 =	smax.u32 s11, $0x1;
	[dreg:$0x7] =	wrdreg s21  }
0x12: {  	s19 =	simm.s32 $0x800;
	s9 =	sadd.s32 s9, s0;
	[dreg:$0x8] =	wrdreg s22  }
0x13: {  	s0 =	sadd.s32 s10, s0;
	s10 =	smul.u32 $0x50, s8;
	[dreg:$0x9] =	wrdreg s4  }
0x14: {  	s2 =	smin.u32 s2, $0x50;
	[dreg:$0xc] =	wrdreg s26;
	s20 =	simm.s32 $0x7  }
0x15: {  	s21 =	simm.s32 $0x400;
	s22 =	simm.s32 $0x80;
	s26 =	simm.s32 $0x8800  }
.Ltmp0:
0x16: {  	s4 =	simm.s32 $0x6;
	[dreg:$0x5] =	wrdreg s15;
	(pc) =	sbr.rel .LBB2_1-.Ltmp0, $4  }
0x17: {  	s0 =	sadd.s32 $0x51C00, s0;
	s24 =	sadd.s32 $0x4, s2;
	s25 =	sadd.s32 $0x29C00, s9  }
0x18: {  	s9 =	simm.s32 $0x0;
	s23 =	ssub.s32 $0x9C4, s10;
	[dreg:$0xa] =	wrdreg s0  }
0x19: {  	[dreg:$0xb] =	wrdreg s25;
	s17 =	sshrl.u32 s24, $0x3;
	s24 =	simm.s32 $0x4800  }
0x1a: {  	v0 =	vimm.bf16 $0.0e+00;
	v1 =	vimm.f32 $0.0e+00;
	v2 =	vimm.f32 $1.000000000e+00;
	s25 =	simm.s32 $0x6800;
	s0 =	simm.s32 $0x5;
	s14 =	smin.u32 s23, $0x50  }
.LBB2_13:
0x1b: {  	s2 =	simm.s32 $0x0;
	s6 =	rddreg [dreg:$0xa]  }
0x1c: {  	[hbm4b:s6+s2] =	stream.linear.scatter [tilespmem:s26], [sflag:$0x7], $0x2800, $0x38;
	[tilespmem:$0x15000] =	vst v63  }
0x1d: {  	_ =	swait.ge [sflag:s20], $0x2800  }
0x1e: {  	[sflag:s20] =	ssyncset.done $0x0  }
0x1f: {  	[sflag:s20] =	ssyncadd.s32 $0xFFFFD800  }
0x20: {  	s15 =	stileid.u32;
	[bflag:$0x0] =	sbarrier.arrive $0xFFFF  }
0x21: {  	s2 =	sshll.u32 s15, $0x6;
	s15 =	rddreg [dreg:$0x5]  }
0x22: {  	s2 =	sor.u32 $0x1C07, s2;
	s8 =	rddreg [dreg:$0xb];
	s16 =	sshrl.u32 s15, $0x3  }
0x23: {  	[hbm:s8], [sflag:s2] =	dma.local [spmem:s16], $0x1400  }
0x24: {  	_ =	swait.ge [sflag:s20], $0x1400  }
0x25: {  	s18 =	rddreg [dreg:$0xd]  }
0x26: {  	s23 =	rddreg [dreg:$0xc];
	s6 =	sadd.s32 $0x1, s18  }
0x27: {  	p0 =	sne.s32 s6, s23  }
.Ltmp1:
0x28: {  	_ = 	snop;
	(pc) =	sbr.rel @!p0 .LBB2_14-.Ltmp1, $3  }
0x29: {  	_ =	sdelay $0x1  }
0x2a: {  	[sflag:s20] =	ssyncset.done $0x0  }
0x2b: {  	[sflag:s20] =	ssyncadd.s32 $0xFFFFEC00  }
.LBB2_1:
0x2c: {  	s2 =	simm.s32 $0x0  }
.LBB2_2:
0x2d: {  	p0 =	sne.s32 s2, $0x7F00  }
.Ltmp2:
0x2e: {  	s8 =	sshra.s32 s2, $0x2;
	(pc) =	sbr.rel @p0 .LBB2_2-.Ltmp2, $4  }
0x2f: {  	[tilespmem:s8+$0x800] =	vst v0  }
0x30: {  	[tilespmem:s8+$0x810] =	vst v0  }
0x31: {  	[tilespmem:s8+$0x820] =	vst v0  }
0x32: {  	s2 =	sadd.s32 $0x100, s2;
	[tilespmem:s8+$0x830] =	vst v0  }
0x33: {  	s2 =	simm.s32 $0x40;
	s8 =	simm.s32 $0x0  }
.LBB2_4:
0x34: {  	p0 =	sne.s32 s2, $0x9FC0;
	[tilespmem:s8+$0x8800] =	vst v1;
	s8 =	smov.u32 s2;
	s2 =	sadd.s32 $0x40, s2  }
.Ltmp3:
0x35: {  	(pc) =	sbr.rel @p0 .LBB2_4-.Ltmp3, $2  }
0x36: {  	_ =	sdelay $0x2  }
0x37: {  	s8 =	sshra.s32 s8, $0x2  }
0x38: {  	[dreg:$0xd] =	wrdreg s6;
	[tilespmem:s8+$0x8800] =	vst v1  }
0x39: {  	[spmem:s15] =	stream.linear.scatter [tilespmem:s19], [sflag:$0x7], $0x2000, $0x38;
	[tilespmem:$0x15000] =	vst v63  }
0x3a: {  	_ =	swait.ge [sflag:s20], $0x2000  }
0x3b: {  	[sflag:s20] =	ssyncset.done $0x0  }
0x3c: {  	s2 =	rddreg [dreg:$0x6];
	[sflag:s20] =	ssyncadd.s32 $0xFFFFE000  }
0x3d: {  	[spmem:s2] =	stream.linear.scatter [tilespmem:s19], [sflag:$0x7], $0x2000, $0x38;
	[tilespmem:$0x15000] =	vst v63  }
0x3e: {  	_ =	swait.ge [sflag:s20], $0x2000  }
0x3f: {  	[sflag:s20] =	ssyncset.done $0x0  }
0x40: {  	s16 =	rddreg [dreg:$0x7];
	[sflag:s20] =	ssyncadd.s32 $0xFFFFE000  }
0x41: {  	[spmem:s16] =	stream.linear.scatter [tilespmem:s19], [sflag:$0x7], $0x2000, $0x38;
	[tilespmem:$0x15000] =	vst v63  }
0x42: {  	_ =	swait.ge [sflag:s20], $0x2000  }
0x43: {  	[sflag:s20] =	ssyncset.done $0x0  }
0x44: {  	s18 =	rddreg [dreg:$0x8];
	[sflag:s20] =	ssyncadd.s32 $0xFFFFE000  }
0x45: {  	[spmem:s18] =	stream.linear.scatter [tilespmem:s19], [sflag:$0x7], $0x2000, $0x38;
	[tilespmem:$0x15000] =	vst v63  }
0x46: {  	_ =	swait.ge [sflag:s20], $0x2000  }
0x47: {  	[sflag:s20] =	ssyncset.done $0x0  }
0x48: {  	s23 =	rddreg [dreg:$0x9];
	[sflag:s20] =	ssyncadd.s32 $0xFFFFE000  }
0x49: {  	[spmem:s23] =	stream.linear.scatter [tilespmem:s19], [sflag:$0x7], $0x2000, $0x38;
	[tilespmem:$0x15000] =	vst v63  }
.Ltmp4:
0x4a: {  	_ =	swait.ge [sflag:s20], $0x2000;
	(pc) =	sbr.rel .LBB2_6-.Ltmp4, $4  }
0x4b: {  	[sflag:s20] =	ssyncset.done $0x0  }
0x4c: {  	[sflag:s20] =	ssyncadd.s32 $0xFFFFE000  }
0x4d: {  	[bflag:$0x0] =	sbarrier.arrive $0xFFFF  }
0x4e: {  	s11 =	simm.s32 $0x0  }
.LBB2_12:
0x4f: {  	s11 =	sadd.s32 $0x1, s11  }
0x50: {  	_ =	swait.ge [sflag:s0], $0x2000;
	p0 =	sne.s32 s11, s17  }
.Ltmp5:
0x51: {  	[sflag:s0] =	ssyncset.done $0x0;
	(pc) =	sbr.rel @!p0 .LBB2_13-.Ltmp5, $4  }
0x52: {  	[sflag:s0] =	ssyncadd.s32 $0xFFFFE000  }
0x53: {  	_ =	swait.ge [sflag:s4], $0x2000  }
0x54: {  	[sflag:s4] =	ssyncset.done $0x0  }
0x55: {  	[sflag:s4] =	ssyncadd.s32 $0xFFFFE000  }
.LBB2_6:
0x56: {  	s2 =	sshll.u32 s11, $0x3  }
0x57: {  	s8 =	sadd.s32 s10, s2  }
0x58: {  	s6 =	rddreg [dreg:$0x4];
	s8 =	sshll.u32 s8, $0x4  }
0x59: {  	s12 =	sadd.s32 s6, s8  }
0x5a: {  	[tilespmem:s9], [sflag:$0x7] =	stream.linear.gather [hbm4b:s12+s9], $0x400, $0x38;
	[tilespmem:$0x15000] =	vst v63  }
0x5b: {  	s12 =	ssub.s32 s14, s2  }
0x5c: {  	_ =	swait.ge [sflag:s20], $0x400;
	p0 =	slt.s32 s12, $0x8  }
0x5d: {  	[sflag:s20] =	ssyncset.done $0x0;
	s12 =	simm.s32 @!p0 $0x8  }
0x5e: {  	s8 =	sadd.s32 s7, s8;
	[sflag:s20] =	ssyncadd.s32 $0xFFFFFC00;
	s13 =	sshra.s32 s12, $0x1  }
0x5f: {  	[tilespmem:s21], [sflag:$0x7] =	stream.linear.gather [hbm4b:s8+s9], $0x400, $0x38;
	[tilespmem:$0x15000] =	vst v63  }
0x60: {  	p0 =	slt.s32 s13, $0x1;
	_ =	swait.ge [sflag:s20], $0x400  }
.Ltmp6:
0x61: {  	[sflag:s20] =	ssyncset.done $0x0;
	(pc) =	sbr.rel @p0 .LBB2_12-.Ltmp6, $4  }
0x62: {  	[sflag:s20] =	ssyncadd.s32 $0xFFFFFC00  }
0x63: {  	[tilespmem:s19], [sflag:$0x1] =	stream.indirect.gather [hbm4b:s1+s22], $0x40, s9, s22, $0xb8;
	[tilespmem:$0x15000] =	vst v63  }
0x64: {  	s23 =	simm.s32 $0x2800;
	s15 =	simm.s32 $0x0  }
0x65: {  	[tilespmem:s23], [sflag:$0x2] =	stream.indirect.gather [hbm4b:s5+s22], $0x40, s21, s22, $0xb8;
	[tilespmem:$0x15000] =	vst v63  }
.LBB2_7:
0x66: {  	p0 =	seq.s32 s15, $0x0  }
0x67: {  	s2 =	simm.s32 @!p0 $0x6  }
0x68: {  	_ =	swait.ge @!p0 [sflag:s2], $0x2000  }
0x69: {  	s18 =	sshll.u32 s15, $0x8;
	[sflag:s2] =	ssyncset.done @!p0 $0x0  }
0x6a: {  	s16 =	sor.u32 $0x80, s18;
	[sflag:s2] =	ssyncadd.s32 @!p0 $0xFFFFE000  }
0x6b: {  	[tilespmem:s24], [sflag:$0x3] =	stream.indirect.gather [hbm4b:s1+s22], $0x40, s16, s22, $0xb8;
	[tilespmem:$0x15000] =	vst v63  }
0x6c: {  	s23 =	sadd.s32 $0x480, s18  }
0x6d: {  	[tilespmem:s25], [sflag:$0x4] =	stream.indirect.gather [hbm4b:s5+s22], $0x40, s23, s22, $0xb8;
	[tilespmem:$0x15000] =	vst v63  }
0x6e: {  	v3 =	vld [tilespmem:s18+$0x0];
	_ =	sdelay $0x7  }
0x6f: {  	[tilespmem:v3+s26+$0x0] =	vst.idx.add.f32.msk $0xffff, v2  }
0x70: {  	v3 =	vld [tilespmem:s18+$0x10];
	_ =	sdelay $0x7  }
0x71: {  	[tilespmem:v3+s26+$0x0] =	vst.idx.add.f32.msk $0xffff, v2  }
0x72: {  	v3 =	vld [tilespmem:s18+$0x20];
	_ =	sdelay $0x7  }
0x73: {  	[tilespmem:v3+s26+$0x0] =	vst.idx.add.f32.msk $0xffff, v2  }
0x74: {  	v3 =	vld [tilespmem:s18+$0x30];
	_ =	sdelay $0x7  }
0x75: {  	[tilespmem:v3+s26+$0x0] =	vst.idx.add.f32.msk $0xffff, v2  }
0x76: {  	v3 =	vld [tilespmem:s18+$0x40];
	_ =	sdelay $0x7  }
0x77: {  	[tilespmem:v3+s26+$0x0] =	vst.idx.add.f32.msk $0xffff, v2  }
0x78: {  	v3 =	vld [tilespmem:s18+$0x50];
	_ =	sdelay $0x7  }
0x79: {  	[tilespmem:v3+s26+$0x0] =	vst.idx.add.f32.msk $0xffff, v2  }
0x7a: {  	v3 =	vld [tilespmem:s18+$0x60];
	_ =	sdelay $0x7  }
0x7b: {  	[tilespmem:v3+s26+$0x0] =	vst.idx.add.f32.msk $0xffff, v2  }
0x7c: {  	v3 =	vld [tilespmem:s18+$0x70];
	_ =	sdelay $0x7  }
0x7d: {  	[tilespmem:v3+s26+$0x0] =	vst.idx.add.f32.msk $0xffff, v2  }
0x7e: {  	_ =	swait.ge [sflag:s28], $0x2000  }
0x7f: {  	[sflag:s28] =	ssyncset.done $0x0  }
0x80: {  	[sflag:s28] =	ssyncadd.s32 $0xFFFFE000  }
0x81: {  	_ =	swait.ge [sflag:s29], $0x2000  }
0x82: {  	[sflag:s29] =	ssyncset.done $0x0  }
0x83: {  	s8 =	simm.s32 $0x0;
	[sflag:s29] =	ssyncadd.s32 $0xFFFFE000  }
0x84: {  	v5 =	vld [tilespmem:s8+$0x2800]  }
0x85: {  	v6 =	vld [tilespmem:s8+$0x2810]  }
0x86: {  	v4 =	vld [tilespmem:s8+$0x2820]  }
0x87: {  	v3 =	vld [tilespmem:s8+$0x2830]  }
0x88: {  	v7 =	vld [tilespmem:s8+$0x800]  }
0x89: {  	v8 =	vld [tilespmem:s8+$0x810]  }
0x8a: {  	s2 =	sshll.u32 s15, $0x1;
	s23 =	simm.s32 $0x100;
	v9 =	vld [tilespmem:s8+$0x820]  }
.LBB2_8:
0x8b: {  	p0 =	sne.s32 s23, $0x7F00;
	v10 =	vld [tilespmem:s8+$0x830]  }
0x8c: {  	s6 =	sshra.s32 s23, $0x2  }
0x8d: {  	v7 =	vsub.bf16 v7, v5;
	v5 =	vld [tilespmem:s6+$0x2800]  }
0x8e: {  	v8 =	vsub.bf16 v8, v6;
	v6 =	vld [tilespmem:s6+$0x2810]  }
.Ltmp7:
0x8f: {  	v7 =	vmax.bf16 v7, v0;
	v9 =	vsub.bf16 v9, v4;
	v4 =	vld [tilespmem:s6+$0x2820];
	(pc) =	sbr.rel @p0 .LBB2_8-.Ltmp7, $4  }
0x90: {  	[tilespmem:s8+$0x800] =	vst v7;
	v8 =	vmax.bf16 v8, v0;
	v10 =	vsub.bf16 v10, v3;
	v3 =	vld [tilespmem:s6+$0x2830]  }
0x91: {  	v7 =	vld [tilespmem:s6+$0x800];
	[tilespmem:s8+$0x810] =	vst v8;
	v9 =	vmax.bf16 v9, v0  }
0x92: {  	v8 =	vld [tilespmem:s6+$0x810];
	[tilespmem:s8+$0x820] =	vst v9;
	v10 =	vmax.bf16 v10, v0  }
0x93: {  	s23 =	sadd.s32 $0x100, s23;
	v9 =	vld [tilespmem:s6+$0x820];
	[tilespmem:s8+$0x830] =	vst v10;
	s8 =	smov.u32 s6  }
0x94: {  	v10 =	vld [tilespmem:s8+$0x830];
	_ =	sdelay $0x1  }
0x95: {  	v5 =	vsub.bf16 v7, v5  }
0x96: {  	v6 =	vsub.bf16 v8, v6  }
0x97: {  	v5 =	vmax.bf16 v5, v0;
	v4 =	vsub.bf16 v9, v4  }
0x98: {  	[tilespmem:s8+$0x800] =	vst v5;
	v5 =	vmax.bf16 v6, v0;
	v3 =	vsub.bf16 v10, v3  }
0x99: {  	s2 =	sadd.s32 $0x2, s2;
	[tilespmem:s8+$0x810] =	vst v5;
	v4 =	vmax.bf16 v4, v0  }
0x9a: {  	p0 =	sge.s32 s2, s12;
	[tilespmem:s8+$0x820] =	vst v4;
	v3 =	vmax.bf16 v3, v0  }
0x9b: {  	s6 =	simm.s32 @!p0 $0x5;
	[tilespmem:s8+$0x830] =	vst v3  }
0x9c: {  	[spmem:s3] =	stream.indirect.scatter.add.bf16 [tilespmem:s19], [sflag:$0x5], $0x40, s18, s22, $0xb8;
	[tilespmem:$0x15000] =	vst v63  }
0x9d: {  	_ =	swait.ge @!p0 [sflag:s6], $0x2000  }
0x9e: {  	s2 =	sshll.u32 @!p0 s2, $0x7;
	[sflag:s6] =	ssyncset.done @!p0 $0x0  }
0x9f: {  	s8 =	simm.s32 @!p0 $0x800;
	[sflag:s6] =	ssyncadd.s32 @!p0 $0xFFFFE000;
	s6 =	simm.s32 @!p0 $0x80  }
0xa0: {  	[tilespmem:s8], [sflag:$0x1] =	stream.indirect.gather @!p0 [hbm4b:s1+s6], $0x40, s2, s6, $0xb8;
	[tilespmem:$0x15000] =	vst v63  }
0xa1: {  	s2 =	sadd.s32 @!p0 $0x400, s2;
	s8 =	simm.s32 @!p0 $0x2800  }
0xa2: {  	[tilespmem:s8], [sflag:$0x2] =	stream.indirect.gather @!p0 [hbm4b:s5+s6], $0x40, s2, s6, $0xb8;
	[tilespmem:$0x15000] =	vst v63  }
0xa3: {  	v3 =	vld [tilespmem:s16+$0x0];
	_ =	sdelay $0x7  }
0xa4: {  	[tilespmem:v3+s26+$0x0] =	vst.idx.add.f32.msk $0xffff, v2  }
0xa5: {  	v3 =	vld [tilespmem:s18+$0x90];
	_ =	sdelay $0x7  }
0xa6: {  	[tilespmem:v3+s26+$0x0] =	vst.idx.add.f32.msk $0xffff, v2  }
0xa7: {  	v3 =	vld [tilespmem:s18+$0xA0];
	_ =	sdelay $0x7  }
0xa8: {  	[tilespmem:v3+s26+$0x0] =	vst.idx.add.f32.msk $0xffff, v2  }
0xa9: {  	v3 =	vld [tilespmem:s18+$0xB0];
	_ =	sdelay $0x7  }
0xaa: {  	[tilespmem:v3+s26+$0x0] =	vst.idx.add.f32.msk $0xffff, v2  }
0xab: {  	v3 =	vld [tilespmem:s18+$0xC0];
	_ =	sdelay $0x7  }
0xac: {  	[tilespmem:v3+s26+$0x0] =	vst.idx.add.f32.msk $0xffff, v2  }
0xad: {  	v3 =	vld [tilespmem:s18+$0xD0];
	_ =	sdelay $0x7  }
0xae: {  	[tilespmem:v3+s26+$0x0] =	vst.idx.add.f32.msk $0xffff, v2  }
0xaf: {  	v3 =	vld [tilespmem:s18+$0xE0];
	_ =	sdelay $0x7  }
0xb0: {  	[tilespmem:v3+s26+$0x0] =	vst.idx.add.f32.msk $0xffff, v2  }
0xb1: {  	v3 =	vld [tilespmem:s18+$0xF0];
	_ =	sdelay $0x7  }
0xb2: {  	[tilespmem:v3+s26+$0x0] =	vst.idx.add.f32.msk $0xffff, v2  }
0xb3: {  	_ =	swait.ge [sflag:s30], $0x2000  }
0xb4: {  	[sflag:s30] =	ssyncset.done $0x0  }
0xb5: {  	[sflag:s30] =	ssyncadd.s32 $0xFFFFE000  }
0xb6: {  	_ =	swait.ge [sflag:s31], $0x2000  }
0xb7: {  	[sflag:s31] =	ssyncset.done $0x0  }
0xb8: {  	s8 =	simm.s32 $0x0;
	[sflag:s31] =	ssyncadd.s32 $0xFFFFE000  }
0xb9: {  	v5 =	vld [tilespmem:s8+$0x6800]  }
0xba: {  	v6 =	vld [tilespmem:s8+$0x6810]  }
0xbb: {  	v4 =	vld [tilespmem:s8+$0x6820]  }
0xbc: {  	v3 =	vld [tilespmem:s8+$0x6830]  }
0xbd: {  	v7 =	vld [tilespmem:s8+$0x4800]  }
0xbe: {  	v9 =	vld [tilespmem:s8+$0x4810]  }
0xbf: {  	s2 =	simm.s32 $0x100;
	v8 =	vld [tilespmem:s8+$0x4820]  }
.LBB2_10:
0xc0: {  	p0 =	sne.s32 s2, $0x7F00;
	v10 =	vld [tilespmem:s8+$0x4830]  }
0xc1: {  	s6 =	sshra.s32 s2, $0x2  }
0xc2: {  	v7 =	vsub.bf16 v7, v5;
	v5 =	vld [tilespmem:s6+$0x6800]  }
0xc3: {  	v9 =	vsub.bf16 v9, v6;
	v6 =	vld [tilespmem:s6+$0x6810]  }
.Ltmp8:
0xc4: {  	v7 =	vmax.bf16 v7, v0;
	v8 =	vsub.bf16 v8, v4;
	v4 =	vld [tilespmem:s6+$0x6820];
	(pc) =	sbr.rel @p0 .LBB2_10-.Ltmp8, $4  }
0xc5: {  	[tilespmem:s8+$0x4800] =	vst v7;
	v9 =	vmax.bf16 v9, v0;
	v10 =	vsub.bf16 v10, v3;
	v3 =	vld [tilespmem:s6+$0x6830]  }
0xc6: {  	v7 =	vld [tilespmem:s6+$0x4800];
	[tilespmem:s8+$0x4810] =	vst v9;
	v8 =	vmax.bf16 v8, v0  }
0xc7: {  	v9 =	vld [tilespmem:s6+$0x4810];
	[tilespmem:s8+$0x4820] =	vst v8;
	v10 =	vmax.bf16 v10, v0  }
0xc8: {  	s2 =	sadd.s32 $0x100, s2;
	v8 =	vld [tilespmem:s6+$0x4820];
	[tilespmem:s8+$0x4830] =	vst v10;
	s8 =	smov.u32 s6  }
0xc9: {  	v10 =	vld [tilespmem:s8+$0x4830];
	_ =	sdelay $0x1  }
0xca: {  	v5 =	vsub.bf16 v7, v5  }
0xcb: {  	s15 =	sadd.s32 $0x1, s15;
	v6 =	vsub.bf16 v9, v6  }
0xcc: {  	p0 =	sne.s32 s15, s13;
	v5 =	vmax.bf16 v5, v0;
	v4 =	vsub.bf16 v8, v4  }
.Ltmp9:
0xcd: {  	[tilespmem:s8+$0x4800] =	vst v5;
	v63 =	vmax.bf16 v6, v0;
	v3 =	vsub.bf16 v10, v3;
	(pc) =	sbr.rel @p0 .LBB2_7-.Ltmp9, $4  }
.Ltmp10:
0xce: {  	[tilespmem:s8+$0x4810] =	vst v63;
	v4 =	vmax.bf16 v4, v0;
	(pc) =	sbr.rel @!p0 .LBB2_12-.Ltmp10, $4  }
0xcf: {  	[tilespmem:s8+$0x4820] =	vst v4;
	v3 =	vmax.bf16 v3, v0  }
0xd0: {  	[tilespmem:s8+$0x4830] =	vst v3  }
0xd1: {  	[spmem:s3] =	stream.indirect.scatter.add.bf16 [tilespmem:s24], [sflag:$0x6], $0x40, s16, s22, $0xb8;
	[tilespmem:$0x15000] =	vst v63  }
0xd2: {  	_ = 	snop  }
.LBB2_14:
0xd3: {  	_ =	sfence.sel $0x180000  }
0xd4: {  	[bflag:$0x0] =	sbarrier.arrive $0xFFFF  }
0xd5: {  	_ =	strace $0x90000047  }
0xd6: {  	s0 =	stileid.u32;
	[bflag:$0x2] =	sbarrier.arrive $0xFFFF  }
0xd7: {  	p0 =	sne.s32 s0, $0x0;
	s0 =	rddreg [dreg:$0x3]  }
0xd8: {  	s0 =	sadd.s32 @!p0 $0x100000, s0  }
0xd9: {  	[sflag:s0] =	ssyncadd.tile.s32 @!p0 $0x1;
	_ =	shalt  }
.Lfunc_end2:
_tile_overlayer_lowered:
.L_overlay_start_2:
0xda: {  	(tag) =	ssettag $0x2  }
0xdb: {  	s0 =	rddreg [dreg:$0x0];
	s2 =	stileid.u32  }
0xdc: {  	s1 =	rddreg [dreg:$0x1];
	p0 =	sne.s32 s2, $0x0  }
0xdd: {  	s3 =	rddreg [dreg:$0x2];
	[bflag:$0x3] =	sbarrier.arrive $0xFFFF;
	s2 =	simm.s32 @!p0 $0x1C07  }
0xde: {  	[timem:s3], [sflag:s2] =	dma.local @!p0 [hbm:s0], s1  }
0xdf: {  	s0 =	simm.s32 @!p0 $0x7  }
0xe0: {  	_ =	swait.ge @!p0 [sflag:s0], s1  }
0xe1: {  	s1 =	ssub.s32 @!p0 $0x0, s1;
	[sflag:s0] =	ssyncset.done @!p0 $0x0  }
0xe2: {  	[sflag:s0] =	ssyncadd.s32 @!p0 s1  }
0xe3: {  	[bflag:$0x3] =	sbarrier.arrive $0xFFFF  }
0xe4: {  	_ =	shalt  }

</sc_bundles>
